<compile_context>
chip_gen: v7x
topology: tpu7x:2x2x1
jax: 0.10.2.dev20260603
libtpu: 0.0.44.dev20260713+nightly
codegen_flags: <defaults>
</compile_context>

<pallas_src>
import functools

import jax
import jax.numpy as jnp
from jax import lax
from jax.experimental import pallas as pl
from jax.experimental.pallas import tpu as pltpu
from jax.experimental.pallas import tpu_sc as plsc

N_NODES = 10000
N_EDGES = 320000
D = 128

NC = 2
NS = 16
NW = NC * NS

CHUNK = 128
C0 = 117
C1 = 41
E_PAD = NS * (C0 + C1) * CHUNK
AGG_ROWS = 10008
STRIPE = 624
LAST_STRIPE = AGG_ROWS - 15 * STRIPE


def _sc_segment_sum(x, ei0, ei1, zeros):
  mesh = plsc.VectorSubcoreMesh(core_axis_name="c", subcore_axis_name="s")

  @functools.partial(
      pl.kernel,
      out_type=jax.ShapeDtypeStruct((NC, AGG_ROWS, D), jnp.float32),
      mesh=mesh,
      scratch_types=[
          pltpu.VMEM((C0, CHUNK), jnp.int32),
          pltpu.VMEM((C0, CHUNK), jnp.int32),
          pltpu.VMEM((CHUNK, D), jnp.float32),
          pltpu.VMEM_SHARED((AGG_ROWS, D), jnp.float32),
          pltpu.SemaphoreType.DMA,
      ],
  )
  def k(x_hbm, ei0_hbm, ei1_hbm, zeros_hbm, out_hbm,
        src_v, dst_v, rows_v, agg_sh, g0):
    cid = lax.axis_index("c")
    sid = lax.axis_index("s")

    @pl.when(sid < NS - 1)
    def _():
      pltpu.sync_copy(zeros_hbm.at[pl.ds(sid * STRIPE, STRIPE)],
                      agg_sh.at[pl.ds(sid * STRIPE, STRIPE)])

    @pl.when(sid == NS - 1)
    def _():
      pltpu.sync_copy(zeros_hbm.at[pl.ds(15 * STRIPE, LAST_STRIPE)],
                      agg_sh.at[pl.ds(15 * STRIPE, LAST_STRIPE)])

    @pl.when(cid == 0)
    def _():
      pltpu.sync_copy(ei0_hbm.at[0, sid], src_v)
      pltpu.sync_copy(ei0_hbm.at[1, sid], dst_v)

    @pl.when(cid == 1)
    def _():
      pltpu.sync_copy(ei1_hbm.at[0, sid], src_v.at[pl.ds(0, C1)])
      pltpu.sync_copy(ei1_hbm.at[1, sid], dst_v.at[pl.ds(0, C1)])

    plsc.subcore_barrier()

    def body(j, carry):
      pltpu.async_copy(x_hbm.at[src_v.at[j]], rows_v, g0).wait()
      pltpu.sync_copy(rows_v, agg_sh.at[dst_v.at[j]], add=True)
      return carry

    @pl.when(cid == 0)
    def _():
      lax.fori_loop(0, C0, body, 0, unroll=3)

    @pl.when(cid == 1)
    def _():
      lax.fori_loop(0, C1, body, 0, unroll=1)

    plsc.subcore_barrier()

    @pl.when(sid < NS - 1)
    def _():
      pltpu.sync_copy(agg_sh.at[pl.ds(sid * STRIPE, STRIPE)],
                      out_hbm.at[cid, pl.ds(sid * STRIPE, STRIPE)])

    @pl.when(sid == NS - 1)
    def _():
      pltpu.sync_copy(agg_sh.at[pl.ds(15 * STRIPE, LAST_STRIPE)],
                      out_hbm.at[cid, pl.ds(15 * STRIPE, LAST_STRIPE)])

  return k(x, ei0, ei1, zeros)


def _tc_linear(x, p, w1t, w2t, b2):
  blk = 1000

  def body(x_ref, p_ref, w1_ref, w2_ref, b_ref, o_ref):
    agg = p_ref[0] + p_ref[1]
    o_ref[...] = (
        jnp.dot(x_ref[...], w1_ref[...], preferred_element_type=jnp.float32)
        + jnp.dot(agg, w2_ref[...], preferred_element_type=jnp.float32)
        + b_ref[...]
    )

  return pl.pallas_call(
      body,
      grid=(N_NODES // blk,),
      in_specs=[
          pl.BlockSpec((blk, D), lambda i: (i, 0)),
          pl.BlockSpec((NC, blk, D), lambda i: (0, i, 0)),
          pl.BlockSpec((D, D), lambda i: (0, 0)),
          pl.BlockSpec((D, D), lambda i: (0, 0)),
          pl.BlockSpec((1, D), lambda i: (0, 0)),
      ],
      out_specs=pl.BlockSpec((blk, D), lambda i: (i, 0)),
      out_shape=jax.ShapeDtypeStruct((N_NODES, D), jnp.float32),
  )(x, p, w1t, w2t, b2)


@jax.jit
def kernel(x, edge_index, W, b):
  e0 = NS * C0 * CHUNK
  pad = E_PAD - N_EDGES
  ei0 = edge_index[:, :e0].reshape(2, NS, C0, CHUNK)
  padv = jnp.stack([jnp.zeros((pad,), jnp.int32),
                    jnp.full((pad,), N_NODES, jnp.int32)])
  ei1 = jnp.concatenate([edge_index[:, e0:], padv],
                        axis=1).reshape(2, NS, C1, CHUNK)
  zeros = jnp.zeros((AGG_ROWS, D), jnp.float32)
  p = _sc_segment_sum(x, ei0, ei1, zeros)
  w1t = W[:, :D].T
  w2t = W[:, D:].T
  return _tc_linear(x, p, w1t, w2t, b.reshape(1, D))

# --- scband reference (transcript-rebuilt; emitter-appended) ---
"""Pipeline reference for scband-gcnlayer-concatenate-1486058684814 (READ-ONLY COPY).

The authoritative reference and input builder live on the scoring server;
editing this copy changes nothing except your own understanding.
"""

import jax, jax.numpy as jnp
import numpy as np

N_NODES = 10000
N_EDGES = 320000
D_FEAT = 128
OUT_FEATS = 128

def setup_inputs(seed: int = 0) -> dict:
    key = jax.random.key(seed)
    k1, k2, k3 = jax.random.split(key, 3)
    x = jax.random.normal(k1, (N_NODES, D_FEAT), dtype=jnp.float32)
    edge_index = jax.random.randint(k2, (2, N_EDGES), 0, N_NODES, dtype=jnp.int32)
    # nn.Linear(in_feats=2*D_FEAT, out_feats=OUT_FEATS): weight [out, in], bias [out]
    W = jax.random.normal(k3, (OUT_FEATS, 2 * D_FEAT), dtype=jnp.float32) * 0.05
    b = jnp.zeros((OUT_FEATS,), dtype=jnp.float32)
    return {"x": x, "edge_index": edge_index, "W": W, "b": b}

def reference(x, edge_index, W, b):
    # gcn_msg = fn.copy_src('vector', 'm'); gcn_reduce = fn.sum('m', 'vector')
    # i.e. agg[dst] = sum over incoming edges of x[src]
    src = edge_index[0]
    dst = edge_index[1]
    msgs = jnp.take(x, src, axis=0)              # gather: copy_src
    agg = jax.ops.segment_sum(msgs, dst, num_segments=x.shape[0])  # scatter-add reduce
    h = jnp.concatenate([x, agg], axis=1)        # th.cat([feature, g.ndata['vector']], dim=1)
    out = h @ W.T + b                            # self.linear(h)
    return out

if __name__ == "__main__":
    import jax
    _d = setup_inputs()
    print(jax.jit(kernel)(*tuple(_d.values())))

</pallas_src>

<mosaic_0001>
#map = affine_map<(d0, d1) -> (0, 0)>
#map1 = affine_map<(d0, d1) -> (0, 0, 0, 0)>
#map2 = affine_map<(d0, d1) -> (0, 0, 0)>
module attributes {stable_mosaic.version = 14 : i64} {
  func.func @k(%arg0: i32, %arg1: i32, %arg2: memref<10000x128xf32, #tpu.memory_space<hbm>>, %arg3: memref<2x16x117x128xi32, #tpu.memory_space<hbm>>, %arg4: memref<2x16x41x128xi32, #tpu.memory_space<hbm>>, %arg5: memref<10008x128xf32, #tpu.memory_space<hbm>>, %arg6: memref<2x10008x128xf32, #tpu.memory_space<hbm>>, %arg7: memref<117x128xi32, #tpu.memory_space<vmem>>, %arg8: memref<117x128xi32, #tpu.memory_space<vmem>>, %arg9: memref<128x128xf32, #tpu.memory_space<vmem>>, %arg10: memref<10008x128xf32, #tpu.memory_space<vmem_shared>>, %arg11: memref<!tpu.dma_semaphore, #tpu.memory_space<semaphore_mem>>) attributes {dimension_semantics = [#tpu.dimension_semantics<core_parallel>, #tpu.dimension_semantics<subcore_parallel>], iteration_bounds = array<i64: 2, 16>, scalar_prefetch = 0 : i64, scratch_operands = 5 : i64, tpu.core_type = #tpu.core_type<sc_vector_subcore>, window_params = [{transform_indices = #map}, {transform_indices = #map1}, {transform_indices = #map1}, {transform_indices = #map}, {transform_indices = #map2}]} {
    %lt3A = arith.constant 15 : i32
    %lt3A_0 = arith.cmpi slt, %arg1, %lt3A : i32
    %convert_element_type3A = arith.extui %lt3A_0 : i1 to i32
    %cond3A = arith.constant 0 : i32
    %cond3A_1 = arith.cmpi ne, %convert_element_type3A, %cond3A : i32
    scf.if %cond3A_1 {
      %mul3A = arith.constant 624 : i32
      %mul3A_37 = arith.muli %arg1, %mul3A : i32
      %mul3A_38 = arith.constant 624 : i32
      %mul3A_39 = arith.muli %arg1, %mul3A_38 : i32
      "tpu.region"() ({
        %run_scoped3A = tpu.sem_alloc : memref<!tpu.dma_semaphore, #tpu.memory_space<semaphore_mem>>
        %dma_start3A = arith.constant 0 : i32
        %dma_start3A_40 = tpu.memref_slice %arg10[%mul3A_39, %dma_start3A] : memref<10008x128xf32, #tpu.memory_space<vmem_shared>> -> memref<624x128xf32, #tpu.memory_space<vmem_shared>>
        %dma_start3A_41 = arith.constant 0 : i32
        %dma_start3A_42 = tpu.memref_slice %arg5[%mul3A_37, %dma_start3A_41] : memref<10008x128xf32, #tpu.memory_space<hbm>> -> memref<624x128xf32, #tpu.memory_space<hbm>>
        tpu.enqueue_dma source(%dma_start3A_42 : memref<624x128xf32, #tpu.memory_space<hbm>>) target(%dma_start3A_40 : memref<624x128xf32, #tpu.memory_space<vmem_shared>>) target_semaphore(%run_scoped3A : memref<!tpu.dma_semaphore, #tpu.memory_space<semaphore_mem>>)
        %dma_wait3A = arith.constant 0 : i32
        %dma_wait3A_43 = tpu.memref_slice %arg10[%mul3A_39, %dma_wait3A] : memref<10008x128xf32, #tpu.memory_space<vmem_shared>> -> memref<624x128xf32, #tpu.memory_space<vmem_shared>>
        %dma_wait3A_44 = arith.constant 0 : i32
        %dma_wait3A_45 = tpu.memref_slice %arg5[%mul3A_37, %dma_wait3A_44] : memref<10008x128xf32, #tpu.memory_space<hbm>> -> memref<624x128xf32, #tpu.memory_space<hbm>>
        tpu.wait_dma2 semaphore(%run_scoped3A : memref<!tpu.dma_semaphore, #tpu.memory_space<semaphore_mem>>) src(%dma_wait3A_45 : memref<624x128xf32, #tpu.memory_space<hbm>>) dst(%dma_wait3A_43 : memref<624x128xf32, #tpu.memory_space<vmem_shared>>)
        tpu.yield
      }) : () -> ()
    } else {
    }
    %eq3A = arith.constant 15 : i32
    %eq3A_2 = arith.cmpi eq, %arg1, %eq3A : i32
    %convert_element_type3A_3 = arith.extui %eq3A_2 : i1 to i32
    %cond3A_4 = arith.constant 0 : i32
    %cond3A_5 = arith.cmpi ne, %convert_element_type3A_3, %cond3A_4 : i32
    scf.if %cond3A_5 {
      "tpu.region"() ({
        %run_scoped3A = tpu.sem_alloc : memref<!tpu.dma_semaphore, #tpu.memory_space<semaphore_mem>>
        %dma_start3A = arith.constant 9360 : i32
        %dma_start3A_37 = arith.constant 0 : i32
        %dma_start3A_38 = tpu.memref_slice %arg10[%dma_start3A, %dma_start3A_37] : memref<10008x128xf32, #tpu.memory_space<vmem_shared>> -> memref<648x128xf32, #tpu.memory_space<vmem_shared>>
        %dma_start3A_39 = arith.constant 9360 : i32
        %dma_start3A_40 = arith.constant 0 : i32
        %dma_start3A_41 = tpu.memref_slice %arg5[%dma_start3A_39, %dma_start3A_40] : memref<10008x128xf32, #tpu.memory_space<hbm>> -> memref<648x128xf32, #tpu.memory_space<hbm>>
        tpu.enqueue_dma source(%dma_start3A_41 : memref<648x128xf32, #tpu.memory_space<hbm>>) target(%dma_start3A_38 : memref<648x128xf32, #tpu.memory_space<vmem_shared>>) target_semaphore(%run_scoped3A : memref<!tpu.dma_semaphore, #tpu.memory_space<semaphore_mem>>)
        %dma_wait3A = arith.constant 9360 : i32
        %dma_wait3A_42 = arith.constant 0 : i32
        %dma_wait3A_43 = tpu.memref_slice %arg10[%dma_wait3A, %dma_wait3A_42] : memref<10008x128xf32, #tpu.memory_space<vmem_shared>> -> memref<648x128xf32, #tpu.memory_space<vmem_shared>>
        %dma_wait3A_44 = arith.constant 9360 : i32
        %dma_wait3A_45 = arith.constant 0 : i32
        %dma_wait3A_46 = tpu.memref_slice %arg5[%dma_wait3A_44, %dma_wait3A_45] : memref<10008x128xf32, #tpu.memory_space<hbm>> -> memref<648x128xf32, #tpu.memory_space<hbm>>
        tpu.wait_dma2 semaphore(%run_scoped3A : memref<!tpu.dma_semaphore, #tpu.memory_space<semaphore_mem>>) src(%dma_wait3A_46 : memref<648x128xf32, #tpu.memory_space<hbm>>) dst(%dma_wait3A_43 : memref<648x128xf32, #tpu.memory_space<vmem_shared>>)
        tpu.yield
      }) : () -> ()
    } else {
    }
    %eq3A_6 = arith.constant 0 : i32
    %eq3A_7 = arith.cmpi eq, %arg0, %eq3A_6 : i32
    %convert_element_type3A_8 = arith.extui %eq3A_7 : i1 to i32
    %cond3A_9 = arith.constant 0 : i32
    %cond3A_10 = arith.cmpi ne, %convert_element_type3A_8, %cond3A_9 : i32
    scf.if %cond3A_10 {
      %run_scoped3A = arith.constant 0 : i32
      "tpu.region"() ({
        %run_scoped3A_38 = tpu.sem_alloc : memref<!tpu.dma_semaphore, #tpu.memory_space<semaphore_mem>>
        %dma_start3A = arith.constant 0 : i32
        %dma_start3A_39 = arith.constant 0 : i32
        %dma_start3A_40 = tpu.memref_slice %arg3[%run_scoped3A, %arg1, %dma_start3A, %dma_start3A_39] : memref<2x16x117x128xi32, #tpu.memory_space<hbm>> -> memref<1x1x117x128xi32, #tpu.memory_space<hbm>>
        %dma_start3A_41 = tpu.memref_squeeze %dma_start3A_40 : memref<1x1x117x128xi32, #tpu.memory_space<hbm>> -> memref<117x128xi32, #tpu.memory_space<hbm>>
        %dma_start3A_42 = arith.constant 0 : i32
        %dma_start3A_43 = arith.constant 0 : i32
        %dma_start3A_44 = tpu.memref_slice %arg3[%run_scoped3A, %arg1, %dma_start3A_42, %dma_start3A_43] : memref<2x16x117x128xi32, #tpu.memory_space<hbm>> -> memref<1x1x117x128xi32, #tpu.memory_space<hbm>>
        %dma_start3A_45 = tpu.memref_squeeze %dma_start3A_44 : memref<1x1x117x128xi32, #tpu.memory_space<hbm>> -> memref<117x128xi32, #tpu.memory_space<hbm>>
        tpu.enqueue_dma source(%dma_start3A_45 : memref<117x128xi32, #tpu.memory_space<hbm>>) target(%arg7 : memref<117x128xi32, #tpu.memory_space<vmem>>) target_semaphore(%run_scoped3A_38 : memref<!tpu.dma_semaphore, #tpu.memory_space<semaphore_mem>>)
        %dma_wait3A = arith.constant 0 : i32
        %dma_wait3A_46 = arith.constant 0 : i32
        %dma_wait3A_47 = tpu.memref_slice %arg3[%run_scoped3A, %arg1, %dma_wait3A, %dma_wait3A_46] : memref<2x16x117x128xi32, #tpu.memory_space<hbm>> -> memref<1x1x117x128xi32, #tpu.memory_space<hbm>>
        %dma_wait3A_48 = tpu.memref_squeeze %dma_wait3A_47 : memref<1x1x117x128xi32, #tpu.memory_space<hbm>> -> memref<117x128xi32, #tpu.memory_space<hbm>>
        %dma_wait3A_49 = arith.constant 0 : i32
        %dma_wait3A_50 = arith.constant 0 : i32
        %dma_wait3A_51 = tpu.memref_slice %arg3[%run_scoped3A, %arg1, %dma_wait3A_49, %dma_wait3A_50] : memref<2x16x117x128xi32, #tpu.memory_space<hbm>> -> memref<1x1x117x128xi32, #tpu.memory_space<hbm>>
        %dma_wait3A_52 = tpu.memref_squeeze %dma_wait3A_51 : memref<1x1x117x128xi32, #tpu.memory_space<hbm>> -> memref<117x128xi32, #tpu.memory_space<hbm>>
        tpu.wait_dma2 semaphore(%run_scoped3A_38 : memref<!tpu.dma_semaphore, #tpu.memory_space<semaphore_mem>>) src(%dma_wait3A_52 : memref<117x128xi32, #tpu.memory_space<hbm>>) dst(%arg7 : memref<117x128xi32, #tpu.memory_space<vmem>>)
        tpu.yield
      }) : () -> ()
      %run_scoped3A_37 = arith.constant 1 : i32
      "tpu.region"() ({
        %run_scoped3A_38 = tpu.sem_alloc : memref<!tpu.dma_semaphore, #tpu.memory_space<semaphore_mem>>
        %dma_start3A = arith.constant 0 : i32
        %dma_start3A_39 = arith.constant 0 : i32
        %dma_start3A_40 = tpu.memref_slice %arg3[%run_scoped3A_37, %arg1, %dma_start3A, %dma_start3A_39] : memref<2x16x117x128xi32, #tpu.memory_space<hbm>> -> memref<1x1x117x128xi32, #tpu.memory_space<hbm>>
        %dma_start3A_41 = tpu.memref_squeeze %dma_start3A_40 : memref<1x1x117x128xi32, #tpu.memory_space<hbm>> -> memref<117x128xi32, #tpu.memory_space<hbm>>
        %dma_start3A_42 = arith.constant 0 : i32
        %dma_start3A_43 = arith.constant 0 : i32
        %dma_start3A_44 = tpu.memref_slice %arg3[%run_scoped3A_37, %arg1, %dma_start3A_42, %dma_start3A_43] : memref<2x16x117x128xi32, #tpu.memory_space<hbm>> -> memref<1x1x117x128xi32, #tpu.memory_space<hbm>>
        %dma_start3A_45 = tpu.memref_squeeze %dma_start3A_44 : memref<1x1x117x128xi32, #tpu.memory_space<hbm>> -> memref<117x128xi32, #tpu.memory_space<hbm>>
        tpu.enqueue_dma source(%dma_start3A_45 : memref<117x128xi32, #tpu.memory_space<hbm>>) target(%arg8 : memref<117x128xi32, #tpu.memory_space<vmem>>) target_semaphore(%run_scoped3A_38 : memref<!tpu.dma_semaphore, #tpu.memory_space<semaphore_mem>>)
        %dma_wait3A = arith.constant 0 : i32
        %dma_wait3A_46 = arith.constant 0 : i32
        %dma_wait3A_47 = tpu.memref_slice %arg3[%run_scoped3A_37, %arg1, %dma_wait3A, %dma_wait3A_46] : memref<2x16x117x128xi32, #tpu.memory_space<hbm>> -> memref<1x1x117x128xi32, #tpu.memory_space<hbm>>
        %dma_wait3A_48 = tpu.memref_squeeze %dma_wait3A_47 : memref<1x1x117x128xi32, #tpu.memory_space<hbm>> -> memref<117x128xi32, #tpu.memory_space<hbm>>
        %dma_wait3A_49 = arith.constant 0 : i32
        %dma_wait3A_50 = arith.constant 0 : i32
        %dma_wait3A_51 = tpu.memref_slice %arg3[%run_scoped3A_37, %arg1, %dma_wait3A_49, %dma_wait3A_50] : memref<2x16x117x128xi32, #tpu.memory_space<hbm>> -> memref<1x1x117x128xi32, #tpu.memory_space<hbm>>
        %dma_wait3A_52 = tpu.memref_squeeze %dma_wait3A_51 : memref<1x1x117x128xi32, #tpu.memory_space<hbm>> -> memref<117x128xi32, #tpu.memory_space<hbm>>
        tpu.wait_dma2 semaphore(%run_scoped3A_38 : memref<!tpu.dma_semaphore, #tpu.memory_space<semaphore_mem>>) src(%dma_wait3A_52 : memref<117x128xi32, #tpu.memory_space<hbm>>) dst(%arg8 : memref<117x128xi32, #tpu.memory_space<vmem>>)
        tpu.yield
      }) : () -> ()
    } else {
    }
    %eq3A_11 = arith.constant 1 : i32
    %eq3A_12 = arith.cmpi eq, %arg0, %eq3A_11 : i32
    %convert_element_type3A_13 = arith.extui %eq3A_12 : i1 to i32
    %cond3A_14 = arith.constant 0 : i32
    %cond3A_15 = arith.cmpi ne, %convert_element_type3A_13, %cond3A_14 : i32
    scf.if %cond3A_15 {
      %run_scoped3A = arith.constant 0 : i32
      "tpu.region"() ({
        %run_scoped3A_38 = tpu.sem_alloc : memref<!tpu.dma_semaphore, #tpu.memory_space<semaphore_mem>>
        %dma_start3A = arith.constant 0 : i32
        %dma_start3A_39 = arith.constant 0 : i32
        %dma_start3A_40 = tpu.memref_slice %arg7[%dma_start3A, %dma_start3A_39] : memref<117x128xi32, #tpu.memory_space<vmem>> -> memref<41x128xi32, #tpu.memory_space<vmem>>
        %dma_start3A_41 = arith.constant 0 : i32
        %dma_start3A_42 = arith.constant 0 : i32
        %dma_start3A_43 = tpu.memref_slice %arg4[%run_scoped3A, %arg1, %dma_start3A_41, %dma_start3A_42] : memref<2x16x41x128xi32, #tpu.memory_space<hbm>> -> memref<1x1x41x128xi32, #tpu.memory_space<hbm>>
        %dma_start3A_44 = tpu.memref_squeeze %dma_start3A_43 : memref<1x1x41x128xi32, #tpu.memory_space<hbm>> -> memref<41x128xi32, #tpu.memory_space<hbm>>
        %dma_start3A_45 = arith.constant 0 : i32
        %dma_start3A_46 = arith.constant 0 : i32
        %dma_start3A_47 = tpu.memref_slice %arg7[%dma_start3A_45, %dma_start3A_46] : memref<117x128xi32, #tpu.memory_space<vmem>> -> memref<41x128xi32, #tpu.memory_space<vmem>>
        %dma_start3A_48 = arith.constant 0 : i32
        %dma_start3A_49 = arith.constant 0 : i32
        %dma_start3A_50 = tpu.memref_slice %arg4[%run_scoped3A, %arg1, %dma_start3A_48, %dma_start3A_49] : memref<2x16x41x128xi32, #tpu.memory_space<hbm>> -> memref<1x1x41x128xi32, #tpu.memory_space<hbm>>
        %dma_start3A_51 = tpu.memref_squeeze %dma_start3A_50 : memref<1x1x41x128xi32, #tpu.memory_space<hbm>> -> memref<41x128xi32, #tpu.memory_space<hbm>>
        tpu.enqueue_dma source(%dma_start3A_51 : memref<41x128xi32, #tpu.memory_space<hbm>>) target(%dma_start3A_47 : memref<41x128xi32, #tpu.memory_space<vmem>>) target_semaphore(%run_scoped3A_38 : memref<!tpu.dma_semaphore, #tpu.memory_space<semaphore_mem>>)
        %dma_wait3A = arith.constant 0 : i32
        %dma_wait3A_52 = arith.constant 0 : i32
        %dma_wait3A_53 = tpu.memref_slice %arg7[%dma_wait3A, %dma_wait3A_52] : memref<117x128xi32, #tpu.memory_space<vmem>> -> memref<41x128xi32, #tpu.memory_space<vmem>>
        %dma_wait3A_54 = arith.constant 0 : i32
        %dma_wait3A_55 = arith.constant 0 : i32
        %dma_wait3A_56 = tpu.memref_slice %arg4[%run_scoped3A, %arg1, %dma_wait3A_54, %dma_wait3A_55] : memref<2x16x41x128xi32, #tpu.memory_space<hbm>> -> memref<1x1x41x128xi32, #tpu.memory_space<hbm>>
        %dma_wait3A_57 = tpu.memref_squeeze %dma_wait3A_56 : memref<1x1x41x128xi32, #tpu.memory_space<hbm>> -> memref<41x128xi32, #tpu.memory_space<hbm>>
        %dma_wait3A_58 = arith.constant 0 : i32
        %dma_wait3A_59 = arith.constant 0 : i32
        %dma_wait3A_60 = tpu.memref_slice %arg7[%dma_wait3A_58, %dma_wait3A_59] : memref<117x128xi32, #tpu.memory_space<vmem>> -> memref<41x128xi32, #tpu.memory_space<vmem>>
        %dma_wait3A_61 = arith.constant 0 : i32
        %dma_wait3A_62 = arith.constant 0 : i32
        %dma_wait3A_63 = tpu.memref_slice %arg4[%run_scoped3A, %arg1, %dma_wait3A_61, %dma_wait3A_62] : memref<2x16x41x128xi32, #tpu.memory_space<hbm>> -> memref<1x1x41x128xi32, #tpu.memory_space<hbm>>
        %dma_wait3A_64 = tpu.memref_squeeze %dma_wait3A_63 : memref<1x1x41x128xi32, #tpu.memory_space<hbm>> -> memref<41x128xi32, #tpu.memory_space<hbm>>
        tpu.wait_dma2 semaphore(%run_scoped3A_38 : memref<!tpu.dma_semaphore, #tpu.memory_space<semaphore_mem>>) src(%dma_wait3A_64 : memref<41x128xi32, #tpu.memory_space<hbm>>) dst(%dma_wait3A_60 : memref<41x128xi32, #tpu.memory_space<vmem>>)
        tpu.yield
      }) : () -> ()
      %run_scoped3A_37 = arith.constant 1 : i32
      "tpu.region"() ({
        %run_scoped3A_38 = tpu.sem_alloc : memref<!tpu.dma_semaphore, #tpu.memory_space<semaphore_mem>>
        %dma_start3A = arith.constant 0 : i32
        %dma_start3A_39 = arith.constant 0 : i32
        %dma_start3A_40 = tpu.memref_slice %arg8[%dma_start3A, %dma_start3A_39] : memref<117x128xi32, #tpu.memory_space<vmem>> -> memref<41x128xi32, #tpu.memory_space<vmem>>
        %dma_start3A_41 = arith.constant 0 : i32
        %dma_start3A_42 = arith.constant 0 : i32
        %dma_start3A_43 = tpu.memref_slice %arg4[%run_scoped3A_37, %arg1, %dma_start3A_41, %dma_start3A_42] : memref<2x16x41x128xi32, #tpu.memory_space<hbm>> -> memref<1x1x41x128xi32, #tpu.memory_space<hbm>>
        %dma_start3A_44 = tpu.memref_squeeze %dma_start3A_43 : memref<1x1x41x128xi32, #tpu.memory_space<hbm>> -> memref<41x128xi32, #tpu.memory_space<hbm>>
        %dma_start3A_45 = arith.constant 0 : i32
        %dma_start3A_46 = arith.constant 0 : i32
        %dma_start3A_47 = tpu.memref_slice %arg8[%dma_start3A_45, %dma_start3A_46] : memref<117x128xi32, #tpu.memory_space<vmem>> -> memref<41x128xi32, #tpu.memory_space<vmem>>
        %dma_start3A_48 = arith.constant 0 : i32
        %dma_start3A_49 = arith.constant 0 : i32
        %dma_start3A_50 = tpu.memref_slice %arg4[%run_scoped3A_37, %arg1, %dma_start3A_48, %dma_start3A_49] : memref<2x16x41x128xi32, #tpu.memory_space<hbm>> -> memref<1x1x41x128xi32, #tpu.memory_space<hbm>>
        %dma_start3A_51 = tpu.memref_squeeze %dma_start3A_50 : memref<1x1x41x128xi32, #tpu.memory_space<hbm>> -> memref<41x128xi32, #tpu.memory_space<hbm>>
        tpu.enqueue_dma source(%dma_start3A_51 : memref<41x128xi32, #tpu.memory_space<hbm>>) target(%dma_start3A_47 : memref<41x128xi32, #tpu.memory_space<vmem>>) target_semaphore(%run_scoped3A_38 : memref<!tpu.dma_semaphore, #tpu.memory_space<semaphore_mem>>)
        %dma_wait3A = arith.constant 0 : i32
        %dma_wait3A_52 = arith.constant 0 : i32
        %dma_wait3A_53 = tpu.memref_slice %arg8[%dma_wait3A, %dma_wait3A_52] : memref<117x128xi32, #tpu.memory_space<vmem>> -> memref<41x128xi32, #tpu.memory_space<vmem>>
        %dma_wait3A_54 = arith.constant 0 : i32
        %dma_wait3A_55 = arith.constant 0 : i32
        %dma_wait3A_56 = tpu.memref_slice %arg4[%run_scoped3A_37, %arg1, %dma_wait3A_54, %dma_wait3A_55] : memref<2x16x41x128xi32, #tpu.memory_space<hbm>> -> memref<1x1x41x128xi32, #tpu.memory_space<hbm>>
        %dma_wait3A_57 = tpu.memref_squeeze %dma_wait3A_56 : memref<1x1x41x128xi32, #tpu.memory_space<hbm>> -> memref<41x128xi32, #tpu.memory_space<hbm>>
        %dma_wait3A_58 = arith.constant 0 : i32
        %dma_wait3A_59 = arith.constant 0 : i32
        %dma_wait3A_60 = tpu.memref_slice %arg8[%dma_wait3A_58, %dma_wait3A_59] : memref<117x128xi32, #tpu.memory_space<vmem>> -> memref<41x128xi32, #tpu.memory_space<vmem>>
        %dma_wait3A_61 = arith.constant 0 : i32
        %dma_wait3A_62 = arith.constant 0 : i32
        %dma_wait3A_63 = tpu.memref_slice %arg4[%run_scoped3A_37, %arg1, %dma_wait3A_61, %dma_wait3A_62] : memref<2x16x41x128xi32, #tpu.memory_space<hbm>> -> memref<1x1x41x128xi32, #tpu.memory_space<hbm>>
        %dma_wait3A_64 = tpu.memref_squeeze %dma_wait3A_63 : memref<1x1x41x128xi32, #tpu.memory_space<hbm>> -> memref<41x128xi32, #tpu.memory_space<hbm>>
        tpu.wait_dma2 semaphore(%run_scoped3A_38 : memref<!tpu.dma_semaphore, #tpu.memory_space<semaphore_mem>>) src(%dma_wait3A_64 : memref<41x128xi32, #tpu.memory_space<hbm>>) dst(%dma_wait3A_60 : memref<41x128xi32, #tpu.memory_space<vmem>>)
        tpu.yield
      }) : () -> ()
    } else {
    }
    %barrier3A = arith.constant 0 : index
    tpu.barrier barrier_id(%barrier3A)
    %eq3A_16 = arith.constant 0 : i32
    %eq3A_17 = arith.cmpi eq, %arg0, %eq3A_16 : i32
    %convert_element_type3A_18 = arith.extui %eq3A_17 : i1 to i32
    %cond3A_19 = arith.constant 0 : i32
    %cond3A_20 = arith.cmpi ne, %convert_element_type3A_18, %cond3A_19 : i32
    scf.if %cond3A_20 {
      %scan3A = arith.constant 0 : i32
      %scan3A_37 = arith.constant 0 : i32
      %scan3A_38 = arith.constant 117 : i32
      %scan3A_39 = arith.addi %scan3A_37, %scan3A_38 : i32
      %scan3A_40 = arith.constant 3 : i32
      scf.for %scan3A_42 = %scan3A_37 to %scan3A_39 step %scan3A_40  : i32 {
        %dma_start3A = arith.constant 0 : i32
        %dma_start3A_43 = tpu.memref_slice %arg7[%scan3A_42, %dma_start3A] : memref<117x128xi32, #tpu.memory_space<vmem>> -> memref<1x128xi32, #tpu.memory_space<vmem>>
        %dma_start3A_44 = tpu.memref_squeeze %dma_start3A_43 : memref<1x128xi32, #tpu.memory_space<vmem>> -> memref<128xi32, #tpu.memory_space<vmem>>
        %dma_start3A_45 = arith.constant 0 : i32
        %dma_start3A_46 = arith.constant 0 : i32
        %dma_start3A_47 = tpu.memref_slice %arg2[%dma_start3A_45, %dma_start3A_46] : memref<10000x128xf32, #tpu.memory_space<hbm>> -> memref<10000x128xf32, #tpu.memory_space<hbm>>
        tpu.enqueue_indirect_dma source(%dma_start3A_47 : memref<10000x128xf32, #tpu.memory_space<hbm>>) target(%arg9 : memref<128x128xf32, #tpu.memory_space<vmem>>) offsets(%dma_start3A_44 : memref<128xi32, #tpu.memory_space<vmem>>) semaphore(%arg11 : memref<!tpu.dma_semaphore, #tpu.memory_space<semaphore_mem>>)
        %dma_wait3A = arith.constant 0 : i32
        %dma_wait3A_48 = tpu.memref_slice %arg7[%scan3A_42, %dma_wait3A] : memref<117x128xi32, #tpu.memory_space<vmem>> -> memref<1x128xi32, #tpu.memory_space<vmem>>
        %dma_wait3A_49 = tpu.memref_squeeze %dma_wait3A_48 : memref<1x128xi32, #tpu.memory_space<vmem>> -> memref<128xi32, #tpu.memory_space<vmem>>
        %dma_wait3A_50 = arith.constant 0 : i32
        %dma_wait3A_51 = arith.constant 0 : i32
        %dma_wait3A_52 = tpu.memref_slice %arg2[%dma_wait3A_50, %dma_wait3A_51] : memref<10000x128xf32, #tpu.memory_space<hbm>> -> memref<10000x128xf32, #tpu.memory_space<hbm>>
        tpu.wait_indirect_dma semaphore(%arg11 : memref<!tpu.dma_semaphore, #tpu.memory_space<semaphore_mem>>) src(%dma_wait3A_52 : memref<10000x128xf32, #tpu.memory_space<hbm>>) dst(%arg9 : memref<128x128xf32, #tpu.memory_space<vmem>>)
        "tpu.region"() ({
          %run_scoped3A = tpu.sem_alloc : memref<!tpu.dma_semaphore, #tpu.memory_space<semaphore_mem>>
          %dma_start3A_81 = arith.constant 0 : i32
          %dma_start3A_82 = tpu.memref_slice %arg8[%scan3A_42, %dma_start3A_81] : memref<117x128xi32, #tpu.memory_space<vmem>> -> memref<1x128xi32, #tpu.memory_space<vmem>>
          %dma_start3A_83 = tpu.memref_squeeze %dma_start3A_82 : memref<1x128xi32, #tpu.memory_space<vmem>> -> memref<128xi32, #tpu.memory_space<vmem>>
          %dma_start3A_84 = arith.constant 0 : i32
          %dma_start3A_85 = arith.constant 0 : i32
          %dma_start3A_86 = tpu.memref_slice %arg10[%dma_start3A_84, %dma_start3A_85] : memref<10008x128xf32, #tpu.memory_space<vmem_shared>> -> memref<10008x128xf32, #tpu.memory_space<vmem_shared>>
          tpu.enqueue_indirect_dma source(%arg9 : memref<128x128xf32, #tpu.memory_space<vmem>>) target(%dma_start3A_86 : memref<10008x128xf32, #tpu.memory_space<vmem_shared>>) offsets(%dma_start3A_83 : memref<128xi32, #tpu.memory_space<vmem>>) semaphore(%run_scoped3A : memref<!tpu.dma_semaphore, #tpu.memory_space<semaphore_mem>>) {add = true}
          %dma_wait3A_87 = arith.constant 0 : i32
          %dma_wait3A_88 = tpu.memref_slice %arg8[%scan3A_42, %dma_wait3A_87] : memref<117x128xi32, #tpu.memory_space<vmem>> -> memref<1x128xi32, #tpu.memory_space<vmem>>
          %dma_wait3A_89 = tpu.memref_squeeze %dma_wait3A_88 : memref<1x128xi32, #tpu.memory_space<vmem>> -> memref<128xi32, #tpu.memory_space<vmem>>
          %dma_wait3A_90 = arith.constant 0 : i32
          %dma_wait3A_91 = arith.constant 0 : i32
          %dma_wait3A_92 = tpu.memref_slice %arg10[%dma_wait3A_90, %dma_wait3A_91] : memref<10008x128xf32, #tpu.memory_space<vmem_shared>> -> memref<10008x128xf32, #tpu.memory_space<vmem_shared>>
          tpu.wait_indirect_dma semaphore(%run_scoped3A : memref<!tpu.dma_semaphore, #tpu.memory_space<semaphore_mem>>) src(%arg9 : memref<128x128xf32, #tpu.memory_space<vmem>>) dst(%dma_wait3A_92 : memref<10008x128xf32, #tpu.memory_space<vmem_shared>>)
          tpu.yield
        }) : () -> ()
        %scan3A_53 = arith.constant 1 : i32
        %scan3A_54 = arith.addi %scan3A_42, %scan3A_53 : i32
        %dma_start3A_55 = arith.constant 0 : i32
        %dma_start3A_56 = tpu.memref_slice %arg7[%scan3A_54, %dma_start3A_55] : memref<117x128xi32, #tpu.memory_space<vmem>> -> memref<1x128xi32, #tpu.memory_space<vmem>>
        %dma_start3A_57 = tpu.memref_squeeze %dma_start3A_56 : memref<1x128xi32, #tpu.memory_space<vmem>> -> memref<128xi32, #tpu.memory_space<vmem>>
        %dma_start3A_58 = arith.constant 0 : i32
        %dma_start3A_59 = arith.constant 0 : i32
        %dma_start3A_60 = tpu.memref_slice %arg2[%dma_start3A_58, %dma_start3A_59] : memref<10000x128xf32, #tpu.memory_space<hbm>> -> memref<10000x128xf32, #tpu.memory_space<hbm>>
        tpu.enqueue_indirect_dma source(%dma_start3A_60 : memref<10000x128xf32, #tpu.memory_space<hbm>>) target(%arg9 : memref<128x128xf32, #tpu.memory_space<vmem>>) offsets(%dma_start3A_57 : memref<128xi32, #tpu.memory_space<vmem>>) semaphore(%arg11 : memref<!tpu.dma_semaphore, #tpu.memory_space<semaphore_mem>>)
        %dma_wait3A_61 = arith.constant 0 : i32
        %dma_wait3A_62 = tpu.memref_slice %arg7[%scan3A_54, %dma_wait3A_61] : memref<117x128xi32, #tpu.memory_space<vmem>> -> memref<1x128xi32, #tpu.memory_space<vmem>>
        %dma_wait3A_63 = tpu.memref_squeeze %dma_wait3A_62 : memref<1x128xi32, #tpu.memory_space<vmem>> -> memref<128xi32, #tpu.memory_space<vmem>>
        %dma_wait3A_64 = arith.constant 0 : i32
        %dma_wait3A_65 = arith.constant 0 : i32
        %dma_wait3A_66 = tpu.memref_slice %arg2[%dma_wait3A_64, %dma_wait3A_65] : memref<10000x128xf32, #tpu.memory_space<hbm>> -> memref<10000x128xf32, #tpu.memory_space<hbm>>
        tpu.wait_indirect_dma semaphore(%arg11 : memref<!tpu.dma_semaphore, #tpu.memory_space<semaphore_mem>>) src(%dma_wait3A_66 : memref<10000x128xf32, #tpu.memory_space<hbm>>) dst(%arg9 : memref<128x128xf32, #tpu.memory_space<vmem>>)
        "tpu.region"() ({
          %run_scoped3A = tpu.sem_alloc : memref<!tpu.dma_semaphore, #tpu.memory_space<semaphore_mem>>
          %dma_start3A_81 = arith.constant 0 : i32
          %dma_start3A_82 = tpu.memref_slice %arg8[%scan3A_54, %dma_start3A_81] : memref<117x128xi32, #tpu.memory_space<vmem>> -> memref<1x128xi32, #tpu.memory_space<vmem>>
          %dma_start3A_83 = tpu.memref_squeeze %dma_start3A_82 : memref<1x128xi32, #tpu.memory_space<vmem>> -> memref<128xi32, #tpu.memory_space<vmem>>
          %dma_start3A_84 = arith.constant 0 : i32
          %dma_start3A_85 = arith.constant 0 : i32
          %dma_start3A_86 = tpu.memref_slice %arg10[%dma_start3A_84, %dma_start3A_85] : memref<10008x128xf32, #tpu.memory_space<vmem_shared>> -> memref<10008x128xf32, #tpu.memory_space<vmem_shared>>
          tpu.enqueue_indirect_dma source(%arg9 : memref<128x128xf32, #tpu.memory_space<vmem>>) target(%dma_start3A_86 : memref<10008x128xf32, #tpu.memory_space<vmem_shared>>) offsets(%dma_start3A_83 : memref<128xi32, #tpu.memory_space<vmem>>) semaphore(%run_scoped3A : memref<!tpu.dma_semaphore, #tpu.memory_space<semaphore_mem>>) {add = true}
          %dma_wait3A_87 = arith.constant 0 : i32
          %dma_wait3A_88 = tpu.memref_slice %arg8[%scan3A_54, %dma_wait3A_87] : memref<117x128xi32, #tpu.memory_space<vmem>> -> memref<1x128xi32, #tpu.memory_space<vmem>>
          %dma_wait3A_89 = tpu.memref_squeeze %dma_wait3A_88 : memref<1x128xi32, #tpu.memory_space<vmem>> -> memref<128xi32, #tpu.memory_space<vmem>>
          %dma_wait3A_90 = arith.constant 0 : i32
          %dma_wait3A_91 = arith.constant 0 : i32
          %dma_wait3A_92 = tpu.memref_slice %arg10[%dma_wait3A_90, %dma_wait3A_91] : memref<10008x128xf32, #tpu.memory_space<vmem_shared>> -> memref<10008x128xf32, #tpu.memory_space<vmem_shared>>
          tpu.wait_indirect_dma semaphore(%run_scoped3A : memref<!tpu.dma_semaphore, #tpu.memory_space<semaphore_mem>>) src(%arg9 : memref<128x128xf32, #tpu.memory_space<vmem>>) dst(%dma_wait3A_92 : memref<10008x128xf32, #tpu.memory_space<vmem_shared>>)
          tpu.yield
        }) : () -> ()
        %scan3A_67 = arith.constant 2 : i32
        %scan3A_68 = arith.addi %scan3A_42, %scan3A_67 : i32
        %dma_start3A_69 = arith.constant 0 : i32
        %dma_start3A_70 = tpu.memref_slice %arg7[%scan3A_68, %dma_start3A_69] : memref<117x128xi32, #tpu.memory_space<vmem>> -> memref<1x128xi32, #tpu.memory_space<vmem>>
        %dma_start3A_71 = tpu.memref_squeeze %dma_start3A_70 : memref<1x128xi32, #tpu.memory_space<vmem>> -> memref<128xi32, #tpu.memory_space<vmem>>
        %dma_start3A_72 = arith.constant 0 : i32
        %dma_start3A_73 = arith.constant 0 : i32
        %dma_start3A_74 = tpu.memref_slice %arg2[%dma_start3A_72, %dma_start3A_73] : memref<10000x128xf32, #tpu.memory_space<hbm>> -> memref<10000x128xf32, #tpu.memory_space<hbm>>
        tpu.enqueue_indirect_dma source(%dma_start3A_74 : memref<10000x128xf32, #tpu.memory_space<hbm>>) target(%arg9 : memref<128x128xf32, #tpu.memory_space<vmem>>) offsets(%dma_start3A_71 : memref<128xi32, #tpu.memory_space<vmem>>) semaphore(%arg11 : memref<!tpu.dma_semaphore, #tpu.memory_space<semaphore_mem>>)
        %dma_wait3A_75 = arith.constant 0 : i32
        %dma_wait3A_76 = tpu.memref_slice %arg7[%scan3A_68, %dma_wait3A_75] : memref<117x128xi32, #tpu.memory_space<vmem>> -> memref<1x128xi32, #tpu.memory_space<vmem>>
        %dma_wait3A_77 = tpu.memref_squeeze %dma_wait3A_76 : memref<1x128xi32, #tpu.memory_space<vmem>> -> memref<128xi32, #tpu.memory_space<vmem>>
        %dma_wait3A_78 = arith.constant 0 : i32
        %dma_wait3A_79 = arith.constant 0 : i32
        %dma_wait3A_80 = tpu.memref_slice %arg2[%dma_wait3A_78, %dma_wait3A_79] : memref<10000x128xf32, #tpu.memory_space<hbm>> -> memref<10000x128xf32, #tpu.memory_space<hbm>>
        tpu.wait_indirect_dma semaphore(%arg11 : memref<!tpu.dma_semaphore, #tpu.memory_space<semaphore_mem>>) src(%dma_wait3A_80 : memref<10000x128xf32, #tpu.memory_space<hbm>>) dst(%arg9 : memref<128x128xf32, #tpu.memory_space<vmem>>)
        "tpu.region"() ({
          %run_scoped3A = tpu.sem_alloc : memref<!tpu.dma_semaphore, #tpu.memory_space<semaphore_mem>>
          %dma_start3A_81 = arith.constant 0 : i32
          %dma_start3A_82 = tpu.memref_slice %arg8[%scan3A_68, %dma_start3A_81] : memref<117x128xi32, #tpu.memory_space<vmem>> -> memref<1x128xi32, #tpu.memory_space<vmem>>
          %dma_start3A_83 = tpu.memref_squeeze %dma_start3A_82 : memref<1x128xi32, #tpu.memory_space<vmem>> -> memref<128xi32, #tpu.memory_space<vmem>>
          %dma_start3A_84 = arith.constant 0 : i32
          %dma_start3A_85 = arith.constant 0 : i32
          %dma_start3A_86 = tpu.memref_slice %arg10[%dma_start3A_84, %dma_start3A_85] : memref<10008x128xf32, #tpu.memory_space<vmem_shared>> -> memref<10008x128xf32, #tpu.memory_space<vmem_shared>>
          tpu.enqueue_indirect_dma source(%arg9 : memref<128x128xf32, #tpu.memory_space<vmem>>) target(%dma_start3A_86 : memref<10008x128xf32, #tpu.memory_space<vmem_shared>>) offsets(%dma_start3A_83 : memref<128xi32, #tpu.memory_space<vmem>>) semaphore(%run_scoped3A : memref<!tpu.dma_semaphore, #tpu.memory_space<semaphore_mem>>) {add = true}
          %dma_wait3A_87 = arith.constant 0 : i32
          %dma_wait3A_88 = tpu.memref_slice %arg8[%scan3A_68, %dma_wait3A_87] : memref<117x128xi32, #tpu.memory_space<vmem>> -> memref<1x128xi32, #tpu.memory_space<vmem>>
          %dma_wait3A_89 = tpu.memref_squeeze %dma_wait3A_88 : memref<1x128xi32, #tpu.memory_space<vmem>> -> memref<128xi32, #tpu.memory_space<vmem>>
          %dma_wait3A_90 = arith.constant 0 : i32
          %dma_wait3A_91 = arith.constant 0 : i32
          %dma_wait3A_92 = tpu.memref_slice %arg10[%dma_wait3A_90, %dma_wait3A_91] : memref<10008x128xf32, #tpu.memory_space<vmem_shared>> -> memref<10008x128xf32, #tpu.memory_space<vmem_shared>>
          tpu.wait_indirect_dma semaphore(%run_scoped3A : memref<!tpu.dma_semaphore, #tpu.memory_space<semaphore_mem>>) src(%arg9 : memref<128x128xf32, #tpu.memory_space<vmem>>) dst(%dma_wait3A_92 : memref<10008x128xf32, #tpu.memory_space<vmem_shared>>)
          tpu.yield
        }) : () -> ()
      }
      %scan3A_41 = arith.constant 117 : i32
    } else {
    }
    %eq3A_21 = arith.constant 1 : i32
    %eq3A_22 = arith.cmpi eq, %arg0, %eq3A_21 : i32
    %convert_element_type3A_23 = arith.extui %eq3A_22 : i1 to i32
    %cond3A_24 = arith.constant 0 : i32
    %cond3A_25 = arith.cmpi ne, %convert_element_type3A_23, %cond3A_24 : i32
    scf.if %cond3A_25 {
      %scan3A = arith.constant 0 : i32
      %scan3A_37 = arith.constant 0 : i32
      %scan3A_38 = arith.constant 41 : i32
      %scan3A_39 = arith.addi %scan3A_37, %scan3A_38 : i32
      %scan3A_40 = arith.constant 1 : i32
      scf.for %scan3A_42 = %scan3A_37 to %scan3A_39 step %scan3A_40  : i32 {
        %dma_start3A = arith.constant 0 : i32
        %dma_start3A_43 = tpu.memref_slice %arg7[%scan3A_42, %dma_start3A] : memref<117x128xi32, #tpu.memory_space<vmem>> -> memref<1x128xi32, #tpu.memory_space<vmem>>
        %dma_start3A_44 = tpu.memref_squeeze %dma_start3A_43 : memref<1x128xi32, #tpu.memory_space<vmem>> -> memref<128xi32, #tpu.memory_space<vmem>>
        %dma_start3A_45 = arith.constant 0 : i32
        %dma_start3A_46 = arith.constant 0 : i32
        %dma_start3A_47 = tpu.memref_slice %arg2[%dma_start3A_45, %dma_start3A_46] : memref<10000x128xf32, #tpu.memory_space<hbm>> -> memref<10000x128xf32, #tpu.memory_space<hbm>>
        tpu.enqueue_indirect_dma source(%dma_start3A_47 : memref<10000x128xf32, #tpu.memory_space<hbm>>) target(%arg9 : memref<128x128xf32, #tpu.memory_space<vmem>>) offsets(%dma_start3A_44 : memref<128xi32, #tpu.memory_space<vmem>>) semaphore(%arg11 : memref<!tpu.dma_semaphore, #tpu.memory_space<semaphore_mem>>)
        %dma_wait3A = arith.constant 0 : i32
        %dma_wait3A_48 = tpu.memref_slice %arg7[%scan3A_42, %dma_wait3A] : memref<117x128xi32, #tpu.memory_space<vmem>> -> memref<1x128xi32, #tpu.memory_space<vmem>>
        %dma_wait3A_49 = tpu.memref_squeeze %dma_wait3A_48 : memref<1x128xi32, #tpu.memory_space<vmem>> -> memref<128xi32, #tpu.memory_space<vmem>>
        %dma_wait3A_50 = arith.constant 0 : i32
        %dma_wait3A_51 = arith.constant 0 : i32
        %dma_wait3A_52 = tpu.memref_slice %arg2[%dma_wait3A_50, %dma_wait3A_51] : memref<10000x128xf32, #tpu.memory_space<hbm>> -> memref<10000x128xf32, #tpu.memory_space<hbm>>
        tpu.wait_indirect_dma semaphore(%arg11 : memref<!tpu.dma_semaphore, #tpu.memory_space<semaphore_mem>>) src(%dma_wait3A_52 : memref<10000x128xf32, #tpu.memory_space<hbm>>) dst(%arg9 : memref<128x128xf32, #tpu.memory_space<vmem>>)
        "tpu.region"() ({
          %run_scoped3A = tpu.sem_alloc : memref<!tpu.dma_semaphore, #tpu.memory_space<semaphore_mem>>
          %dma_start3A_53 = arith.constant 0 : i32
          %dma_start3A_54 = tpu.memref_slice %arg8[%scan3A_42, %dma_start3A_53] : memref<117x128xi32, #tpu.memory_space<vmem>> -> memref<1x128xi32, #tpu.memory_space<vmem>>
          %dma_start3A_55 = tpu.memref_squeeze %dma_start3A_54 : memref<1x128xi32, #tpu.memory_space<vmem>> -> memref<128xi32, #tpu.memory_space<vmem>>
          %dma_start3A_56 = arith.constant 0 : i32
          %dma_start3A_57 = arith.constant 0 : i32
          %dma_start3A_58 = tpu.memref_slice %arg10[%dma_start3A_56, %dma_start3A_57] : memref<10008x128xf32, #tpu.memory_space<vmem_shared>> -> memref<10008x128xf32, #tpu.memory_space<vmem_shared>>
          tpu.enqueue_indirect_dma source(%arg9 : memref<128x128xf32, #tpu.memory_space<vmem>>) target(%dma_start3A_58 : memref<10008x128xf32, #tpu.memory_space<vmem_shared>>) offsets(%dma_start3A_55 : memref<128xi32, #tpu.memory_space<vmem>>) semaphore(%run_scoped3A : memref<!tpu.dma_semaphore, #tpu.memory_space<semaphore_mem>>) {add = true}
          %dma_wait3A_59 = arith.constant 0 : i32
          %dma_wait3A_60 = tpu.memref_slice %arg8[%scan3A_42, %dma_wait3A_59] : memref<117x128xi32, #tpu.memory_space<vmem>> -> memref<1x128xi32, #tpu.memory_space<vmem>>
          %dma_wait3A_61 = tpu.memref_squeeze %dma_wait3A_60 : memref<1x128xi32, #tpu.memory_space<vmem>> -> memref<128xi32, #tpu.memory_space<vmem>>
          %dma_wait3A_62 = arith.constant 0 : i32
          %dma_wait3A_63 = arith.constant 0 : i32
          %dma_wait3A_64 = tpu.memref_slice %arg10[%dma_wait3A_62, %dma_wait3A_63] : memref<10008x128xf32, #tpu.memory_space<vmem_shared>> -> memref<10008x128xf32, #tpu.memory_space<vmem_shared>>
          tpu.wait_indirect_dma semaphore(%run_scoped3A : memref<!tpu.dma_semaphore, #tpu.memory_space<semaphore_mem>>) src(%arg9 : memref<128x128xf32, #tpu.memory_space<vmem>>) dst(%dma_wait3A_64 : memref<10008x128xf32, #tpu.memory_space<vmem_shared>>)
          tpu.yield
        }) : () -> ()
      }
      %scan3A_41 = arith.constant 41 : i32
    } else {
    }
    %barrier3A_26 = arith.constant 0 : index
    tpu.barrier barrier_id(%barrier3A_26)
    %lt3A_27 = arith.constant 15 : i32
    %lt3A_28 = arith.cmpi slt, %arg1, %lt3A_27 : i32
    %convert_element_type3A_29 = arith.extui %lt3A_28 : i1 to i32
    %cond3A_30 = arith.constant 0 : i32
    %cond3A_31 = arith.cmpi ne, %convert_element_type3A_29, %cond3A_30 : i32
    scf.if %cond3A_31 {
      %mul3A = arith.constant 624 : i32
      %mul3A_37 = arith.muli %arg1, %mul3A : i32
      %mul3A_38 = arith.constant 624 : i32
      %mul3A_39 = arith.muli %arg1, %mul3A_38 : i32
      "tpu.region"() ({
        %run_scoped3A = tpu.sem_alloc : memref<!tpu.dma_semaphore, #tpu.memory_space<semaphore_mem>>
        %dma_start3A = arith.constant 0 : i32
        %dma_start3A_40 = tpu.memref_slice %arg6[%arg0, %mul3A_39, %dma_start3A] : memref<2x10008x128xf32, #tpu.memory_space<hbm>> -> memref<1x624x128xf32, #tpu.memory_space<hbm>>
        %dma_start3A_41 = tpu.memref_squeeze %dma_start3A_40 : memref<1x624x128xf32, #tpu.memory_space<hbm>> -> memref<624x128xf32, #tpu.memory_space<hbm>>
        %dma_start3A_42 = arith.constant 0 : i32
        %dma_start3A_43 = tpu.memref_slice %arg10[%mul3A_37, %dma_start3A_42] : memref<10008x128xf32, #tpu.memory_space<vmem_shared>> -> memref<624x128xf32, #tpu.memory_space<vmem_shared>>
        tpu.enqueue_dma source(%dma_start3A_43 : memref<624x128xf32, #tpu.memory_space<vmem_shared>>) target(%dma_start3A_41 : memref<624x128xf32, #tpu.memory_space<hbm>>) target_semaphore(%run_scoped3A : memref<!tpu.dma_semaphore, #tpu.memory_space<semaphore_mem>>)
        %dma_wait3A = arith.constant 0 : i32
        %dma_wait3A_44 = tpu.memref_slice %arg6[%arg0, %mul3A_39, %dma_wait3A] : memref<2x10008x128xf32, #tpu.memory_space<hbm>> -> memref<1x624x128xf32, #tpu.memory_space<hbm>>
        %dma_wait3A_45 = tpu.memref_squeeze %dma_wait3A_44 : memref<1x624x128xf32, #tpu.memory_space<hbm>> -> memref<624x128xf32, #tpu.memory_space<hbm>>
        %dma_wait3A_46 = arith.constant 0 : i32
        %dma_wait3A_47 = tpu.memref_slice %arg10[%mul3A_37, %dma_wait3A_46] : memref<10008x128xf32, #tpu.memory_space<vmem_shared>> -> memref<624x128xf32, #tpu.memory_space<vmem_shared>>
        tpu.wait_dma2 semaphore(%run_scoped3A : memref<!tpu.dma_semaphore, #tpu.memory_space<semaphore_mem>>) src(%dma_wait3A_47 : memref<624x128xf32, #tpu.memory_space<vmem_shared>>) dst(%dma_wait3A_45 : memref<624x128xf32, #tpu.memory_space<hbm>>)
        tpu.yield
      }) : () -> ()
    } else {
    }
    %eq3A_32 = arith.constant 15 : i32
    %eq3A_33 = arith.cmpi eq, %arg1, %eq3A_32 : i32
    %convert_element_type3A_34 = arith.extui %eq3A_33 : i1 to i32
    %cond3A_35 = arith.constant 0 : i32
    %cond3A_36 = arith.cmpi ne, %convert_element_type3A_34, %cond3A_35 : i32
    scf.if %cond3A_36 {
      "tpu.region"() ({
        %run_scoped3A = tpu.sem_alloc : memref<!tpu.dma_semaphore, #tpu.memory_space<semaphore_mem>>
        %dma_start3A = arith.constant 9360 : i32
        %dma_start3A_37 = arith.constant 0 : i32
        %dma_start3A_38 = tpu.memref_slice %arg6[%arg0, %dma_start3A, %dma_start3A_37] : memref<2x10008x128xf32, #tpu.memory_space<hbm>> -> memref<1x648x128xf32, #tpu.memory_space<hbm>>
        %dma_start3A_39 = tpu.memref_squeeze %dma_start3A_38 : memref<1x648x128xf32, #tpu.memory_space<hbm>> -> memref<648x128xf32, #tpu.memory_space<hbm>>
        %dma_start3A_40 = arith.constant 9360 : i32
        %dma_start3A_41 = arith.constant 0 : i32
        %dma_start3A_42 = tpu.memref_slice %arg10[%dma_start3A_40, %dma_start3A_41] : memref<10008x128xf32, #tpu.memory_space<vmem_shared>> -> memref<648x128xf32, #tpu.memory_space<vmem_shared>>
        tpu.enqueue_dma source(%dma_start3A_42 : memref<648x128xf32, #tpu.memory_space<vmem_shared>>) target(%dma_start3A_39 : memref<648x128xf32, #tpu.memory_space<hbm>>) target_semaphore(%run_scoped3A : memref<!tpu.dma_semaphore, #tpu.memory_space<semaphore_mem>>)
        %dma_wait3A = arith.constant 9360 : i32
        %dma_wait3A_43 = arith.constant 0 : i32
        %dma_wait3A_44 = tpu.memref_slice %arg6[%arg0, %dma_wait3A, %dma_wait3A_43] : memref<2x10008x128xf32, #tpu.memory_space<hbm>> -> memref<1x648x128xf32, #tpu.memory_space<hbm>>
        %dma_wait3A_45 = tpu.memref_squeeze %dma_wait3A_44 : memref<1x648x128xf32, #tpu.memory_space<hbm>> -> memref<648x128xf32, #tpu.memory_space<hbm>>
        %dma_wait3A_46 = arith.constant 9360 : i32
        %dma_wait3A_47 = arith.constant 0 : i32
        %dma_wait3A_48 = tpu.memref_slice %arg10[%dma_wait3A_46, %dma_wait3A_47] : memref<10008x128xf32, #tpu.memory_space<vmem_shared>> -> memref<648x128xf32, #tpu.memory_space<vmem_shared>>
        tpu.wait_dma2 semaphore(%run_scoped3A : memref<!tpu.dma_semaphore, #tpu.memory_space<semaphore_mem>>) src(%dma_wait3A_48 : memref<648x128xf32, #tpu.memory_space<vmem_shared>>) dst(%dma_wait3A_45 : memref<648x128xf32, #tpu.memory_space<hbm>>)
        tpu.yield
      }) : () -> ()
    } else {
    }
    return
  }
}

module attributes {stable_mosaic.version = 14 : i64} {
  func.func @body(%arg0: i32, %arg1: memref<1000x128xf32, #tpu.memory_space<vmem>>, %arg2: memref<2x1000x128xf32, #tpu.memory_space<vmem>>, %arg3: memref<128x128xf32, #tpu.memory_space<vmem>>, %arg4: memref<128x128xf32, #tpu.memory_space<vmem>>, %arg5: memref<1x128xf32, #tpu.memory_space<vmem>>, %arg6: memref<1000x128xf32, #tpu.memory_space<vmem>>) attributes {dimension_semantics = [#tpu.dimension_semantics<arbitrary>], iteration_bounds = array<i64: 10>, scalar_prefetch = 0 : i64, scratch_operands = 0 : i64, tpu.core_type = #tpu.core_type<tc>, window_params = [{transform_indices = @transform_0, window_bounds = array<i64: 1000, 128>}, {transform_indices = @transform_1, window_bounds = array<i64: 2, 1000, 128>}, {pipeline_mode = #tpu.pipeline_mode<synchronous>, transform_indices = @transform_2, window_bounds = array<i64: 128, 128>}, {pipeline_mode = #tpu.pipeline_mode<synchronous>, transform_indices = @transform_3, window_bounds = array<i64: 128, 128>}, {pipeline_mode = #tpu.pipeline_mode<synchronous>, transform_indices = @transform_4, window_bounds = array<i64: 1, 128>}, {transform_indices = @transform_5, window_bounds = array<i64: 1000, 128>}]} {
    %get3A = arith.constant 0 : index
    %get3A_0 = arith.constant 0 : index
    %get3A_1 = arith.constant 0 : index
    %get3A_2 = vector.load %arg2[%get3A, %get3A_0, %get3A_1] : memref<2x1000x128xf32, #tpu.memory_space<vmem>>, vector<1x1000x128xf32>
    %get3A_3 = vector.shape_cast %get3A_2 : vector<1x1000x128xf32> to vector<1000x128xf32>
    %get3A_4 = arith.constant 1 : index
    %get3A_5 = arith.constant 0 : index
    %get3A_6 = arith.constant 0 : index
    %get3A_7 = vector.load %arg2[%get3A_4, %get3A_5, %get3A_6] : memref<2x1000x128xf32, #tpu.memory_space<vmem>>, vector<1x1000x128xf32>
    %get3A_8 = vector.shape_cast %get3A_7 : vector<1x1000x128xf32> to vector<1000x128xf32>
    %add3A = arith.addf %get3A_3, %get3A_8 : vector<1000x128xf32>
    %get3A_9 = arith.constant 0 : index
    %get3A_10 = arith.constant 0 : index
    %get3A_11 = vector.load %arg1[%get3A_9, %get3A_10] : memref<1000x128xf32, #tpu.memory_space<vmem>>, vector<1000x128xf32>
    %get3A_12 = arith.constant 0 : index
    %get3A_13 = arith.constant 0 : index
    %get3A_14 = vector.load %arg3[%get3A_12, %get3A_13] : memref<128x128xf32, #tpu.memory_space<vmem>>, vector<128x128xf32>
    %dot_general3A = arith.constant dense<0.000000e+00> : vector<1000x128xf32>
    %dot_general3A_15 = tpu.matmul %get3A_11, %get3A_14, %dot_general3A {dimension_numbers = #tpu.dot_dimension_numbers<[1], [0], [0], [1], [0, 0, 1, 1], [], []>, transpose_lhs_hint = false} : vector<1000x128xf32>, vector<128x128xf32>, vector<1000x128xf32> -> vector<1000x128xf32>
    %get3A_16 = arith.constant 0 : index
    %get3A_17 = arith.constant 0 : index
    %get3A_18 = vector.load %arg4[%get3A_16, %get3A_17] : memref<128x128xf32, #tpu.memory_space<vmem>>, vector<128x128xf32>
    %dot_general3A_19 = arith.constant dense<0.000000e+00> : vector<1000x128xf32>
    %dot_general3A_20 = tpu.matmul %add3A, %get3A_18, %dot_general3A_19 {dimension_numbers = #tpu.dot_dimension_numbers<[1], [0], [0], [1], [0, 0, 1, 1], [], []>, transpose_lhs_hint = false} : vector<1000x128xf32>, vector<128x128xf32>, vector<1000x128xf32> -> vector<1000x128xf32>
    %add3A_21 = arith.addf %dot_general3A_15, %dot_general3A_20 : vector<1000x128xf32>
    %get3A_22 = arith.constant 0 : index
    %get3A_23 = arith.constant 0 : index
    %get3A_24 = vector.load %arg5[%get3A_22, %get3A_23] : memref<1x128xf32, #tpu.memory_space<vmem>>, vector<1x128xf32>
    %add3A_25 = vector.broadcast %get3A_24 : vector<1x128xf32> to vector<1000x128xf32>
    %add3A_26 = arith.addf %add3A_21, %add3A_25 : vector<1000x128xf32>
    %swap3A = arith.constant 0 : index
    %swap3A_27 = arith.constant 0 : index
    %swap3A_28 = vector.load %arg6[%swap3A, %swap3A_27] : memref<1000x128xf32, #tpu.memory_space<vmem>>, vector<1000x128xf32>
    tpu.vector_store %arg6[%swap3A, %swap3A_27], %add3A_26 {strides = array<i32>} : memref<1000x128xf32, #tpu.memory_space<vmem>>, vector<1000x128xf32>,
    return
  }
  func.func @transform_0(%arg0: i32) -> (i32, i32) {
    %c0_i32 = arith.constant 0 : i32
    %c0_i32_0 = arith.constant 0 : i32
    return %arg0, %c0_i32 : i32, i32
  }
  func.func @transform_1(%arg0: i32) -> (i32, i32, i32) {
    %c0_i32 = arith.constant 0 : i32
    %c0_i32_0 = arith.constant 0 : i32
    %c0_i32_1 = arith.constant 0 : i32
    return %c0_i32, %arg0, %c0_i32_0 : i32, i32, i32
  }
  func.func @transform_2(%arg0: i32) -> (i32, i32) {
    %c0_i32 = arith.constant 0 : i32
    %c0_i32_0 = arith.constant 0 : i32
    %c0_i32_1 = arith.constant 0 : i32
    return %c0_i32, %c0_i32_0 : i32, i32
  }
  func.func @transform_3(%arg0: i32) -> (i32, i32) {
    %c0_i32 = arith.constant 0 : i32
    %c0_i32_0 = arith.constant 0 : i32
    %c0_i32_1 = arith.constant 0 : i32
    return %c0_i32, %c0_i32_0 : i32, i32
  }
  func.func @transform_4(%arg0: i32) -> (i32, i32) {
    %c0_i32 = arith.constant 0 : i32
    %c0_i32_0 = arith.constant 0 : i32
    %c0_i32_1 = arith.constant 0 : i32
    return %c0_i32, %c0_i32_0 : i32, i32
  }
  func.func @transform_5(%arg0: i32) -> (i32, i32) {
    %c0_i32 = arith.constant 0 : i32
    %c0_i32_0 = arith.constant 0 : i32
    return %arg0, %c0_i32 : i32, i32
  }
}

</mosaic_0001>

<sc_bundles>
// kernel: kernel.4.cloned.1.call-start
scs
__scs_entry_jumppad:
0x0: {  	(pc) =	sbr.rel $0x88, $3  }
0x1: {  	(tag) =	ssettag $0x0;
	lr =	simm.s32 $0x1  }
0x2: {  	[smem:$0x3F9D] =	sst lr;
	_ =	strace $0xD0000000  }
0x3: {  	_ = 	snop  }
0x4: {  	_ = 	snop  }
0x5: {  	_ = 	snop  }
0x6: {  	_ = 	snop  }
0x7: {  	_ = 	snop  }
__scs_overlays_trampoline_lowered:
0x8: {  	[smem:$0x3FAC] =	sst s0  }
0x9: {  	[smem:$0x3FAD] =	sst s1  }
0xa: {  	[smem:$0x3FAE] =	sst s2  }
0xb: {  	[smem:$0x3FAF] =	sst s3  }
0xc: {  	[smem:$0x3FB0] =	sst s4  }
0xd: {  	[smem:$0x3FB1] =	sst s5  }
0xe: {  	[smem:$0x3FB2] =	sst s6  }
0xf: {  	[smem:$0x3FB3] =	sst s7  }
0x10: {  	[smem:$0x3FB4] =	sst s8  }
0x11: {  	[smem:$0x3FB5] =	sst s9;
	s0 =	simm.s32 @!p0 $0x0  }
0x12: {  	s1 =	sld [smem:$0x3F9B];
	s0 =	simm.s32 @p0 $0x1  }
0x13: {  	[smem:$0x3FB6] =	sst s0;
	s0 =	simm.s32 @!p1 $0x0  }
0x14: {  	s2 =	sld [smem:$0x3F9A];
	s0 =	simm.s32 @p1 $0x1  }
0x15: {  	[smem:$0x3FB7] =	sst s0;
	s0 =	simm.s32 @!p2 $0x0  }
0x16: {  	s3 =	sld [smem:$0x3FDB];
	s0 =	simm.s32 @p2 $0x1  }
0x17: {  	s4 =	simm.s32 $0x1BF5;
	[smem:$0x3FB9] =	sst s0  }
0x18: {  	s0 =	sld [smem:$0x3F9C];
	_ =	swait.ge [sflag:s4], $0x0  }
0x19: {  	s7 =	sld [smem:$0x3F9D]  }
0x1a: {  	s8 =	sadd.s32 $0xFFFFE003, lr  }
0x1b: {  	s9 =	sadd.s32 $0xFFFFFEF7, lr;
	s5 =	simm.s32 $0xFFFFFFFF;
	p2 =	slt.u32 s8, $0xFFFFF086  }
0x1c: {  	p1 =	slt.u32 s9, $0xF7A;
	s5 =	simm.s32 @!p2 $0x0  }
0x1d: {  	s5 =	simm.s32 @p1 $0x1;
	p0 =	seq.s32 s7, s2  }
0x1e: {  	s7 =	smul.u32 @!p0 $0xF7A, s2;
	p2 =	seq.s32 @!p0 s5, $0x0  }
0x1f: {  	s9 =	smul.u32 $0xF7A, s1;
	s8 =	simm.s32 @!p0 $0x1BF5;
	p2 =	por !p2, p0  }
0x20: {  	[sflag:s8] =	ssyncset.s32 @!p0 $0xFFFFF086;
	s6 =	sadd.s32 @!p0 s3, s7;
	s7 =	simm.s32 @!p0 $0x108  }
0x21: {  	s3 =	sadd.s32 s3, s9;
	s6 =	sadd.s32 @!p0 $0x88, s6;
	s7 =	simm.s32 @p2 $0x1082  }
0x22: {  	[simem:s7], [sflag:s8] =	dma.local @!p0 [hbm:s6], $0xF7A  }
0x23: {  	s9 =	sor.u32 $0xD0000000, s2;
	s6 =	simm.s32 $0x108;
	_ =	swait.ge @!p0 [sflag:s8], $0x0  }
0x24: {  	s3 =	sadd.s32 $0x88, s3;
	s6 =	simm.s32 @!p1 $0x1082;
	[sflag:s4] =	ssyncset.s32 $0xFFFFF086  }
0x25: {  	[simem:s6], [sflag:s4] =	dma.local [hbm:s3], $0xF7A  }
0x26: {  	[smem:$0x3F9D] =	sst s1;
	(tag) =	ssettag s2;
	_ =	strace s9  }
0x27: {  	s1 =	sld [smem:$0x3FAD]  }
0x28: {  	s2 =	sld [smem:$0x3FAE]  }
0x29: {  	s4 =	sld [smem:$0x3FB0]  }
0x2a: {  	p0 =	seq.s32 s5, $0x0;
	s5 =	sld [smem:$0x3FB1]  }
0x2b: {  	s6 =	sld [smem:$0x3FB2]  }
0x2c: {  	s7 =	sld [smem:$0x3FB3]  }
0x2d: {  	s3 =	simm.s32 $0x108;
	s8 =	sld [smem:$0x3FB4]  }
0x2e: {  	s3 =	simm.s32 @!p0 $0x1082;
	s9 =	sld [smem:$0x3FB5]  }
0x2f: {  	lr =	sadd.s32 s0, s3;
	s0 =	sld [smem:$0x3FAC]  }
0x30: {  	s3 =	sld [smem:$0x3FAF]  }
0x31: {  	[smem:$0x3FB8] =	sst s10  }
0x32: {  	s10 =	sld [smem:$0x3FB6];
	_ =	sdelay $0x3  }
0x33: {  	p0 =	seq.s32 s10, $0x1;
	s10 =	sld [smem:$0x3FB8];
	_ =	sdelay $0x3  }
0x34: {  	[smem:$0x3FB8] =	sst s10  }
0x35: {  	s10 =	sld [smem:$0x3FB7];
	_ =	sdelay $0x3  }
0x36: {  	p1 =	seq.s32 s10, $0x1;
	s10 =	sld [smem:$0x3FB8];
	_ =	sdelay $0x3  }
0x37: {  	[smem:$0x3FB8] =	sst s10  }
0x38: {  	s10 =	sld [smem:$0x3FB9]  }
0x39: {  	_ = 	snop;
	(pc) =	sbr.ind lr, $3  }
0x3a: {  	_ = 	snop  }
0x3b: {  	_ = 	snop  }
0x3c: {  	p2 =	seq.s32 s10, $0x1;
	s10 =	sld [smem:$0x3FB8]  }
0x3d: {  	_ =	shalt  }
0x3e: {  	_ =	shalt  }
0x3f: {  	_ =	shalt  }
0x40: {  	_ =	shalt  }
0x41: {  	_ =	shalt  }
0x42: {  	_ =	shalt  }
0x43: {  	_ =	shalt  }
0x44: {  	_ =	shalt  }
0x45: {  	_ =	shalt  }
0x46: {  	_ =	shalt  }
0x47: {  	_ =	shalt  }
0x48: {  	_ =	shalt  }
0x49: {  	_ =	shalt  }
0x4a: {  	_ =	shalt  }
0x4b: {  	_ =	shalt  }
0x4c: {  	_ =	shalt  }
0x4d: {  	_ =	shalt  }
0x4e: {  	_ =	shalt  }
0x4f: {  	_ =	shalt  }
0x50: {  	_ =	shalt  }
0x51: {  	_ =	shalt  }
0x52: {  	_ =	shalt  }
0x53: {  	_ =	shalt  }
0x54: {  	_ =	shalt  }
0x55: {  	_ =	shalt  }
0x56: {  	_ =	shalt  }
0x57: {  	_ =	shalt  }
0x58: {  	_ =	shalt  }
0x59: {  	_ =	shalt  }
0x5a: {  	_ =	shalt  }
0x5b: {  	_ =	shalt  }
0x5c: {  	_ =	shalt  }
0x5d: {  	_ =	shalt  }
0x5e: {  	_ =	shalt  }
0x5f: {  	_ =	shalt  }
0x60: {  	_ =	shalt  }
0x61: {  	_ =	shalt  }
0x62: {  	_ =	shalt  }
0x63: {  	_ =	shalt  }
0x64: {  	_ =	shalt  }
0x65: {  	_ =	shalt  }
0x66: {  	_ =	shalt  }
0x67: {  	_ =	shalt  }
0x68: {  	_ =	shalt  }
0x69: {  	_ =	shalt  }
0x6a: {  	_ =	shalt  }
0x6b: {  	_ =	shalt  }
0x6c: {  	_ =	shalt  }
0x6d: {  	_ =	shalt  }
0x6e: {  	_ =	shalt  }
0x6f: {  	_ =	shalt  }
0x70: {  	_ =	shalt  }
0x71: {  	_ =	shalt  }
0x72: {  	_ =	shalt  }
0x73: {  	_ =	shalt  }
0x74: {  	_ =	shalt  }
0x75: {  	_ =	shalt  }
0x76: {  	_ =	shalt  }
0x77: {  	_ =	shalt  }
0x78: {  	_ =	shalt  }
0x79: {  	_ =	shalt  }
0x7a: {  	_ =	shalt  }
0x7b: {  	_ =	shalt  }
0x7c: {  	_ =	shalt  }
0x7d: {  	_ =	shalt  }
0x7e: {  	_ =	shalt  }
0x7f: {  	_ =	shalt  }
0x80: {  	_ =	shalt  }
0x81: {  	_ =	shalt  }
0x82: {  	_ =	shalt  }
0x83: {  	_ =	shalt  }
0x84: {  	_ =	shalt  }
0x85: {  	_ =	shalt  }
0x86: {  	_ =	shalt  }
0x87: {  	_ =	shalt  }
.Lfunc_end0:
.L_simem_size_0:
called_computation_lowered:
.L_overlay_start_0:
0x88: {  	s2 =	sld [smem:$0x3FD9]  }
0x89: {  	s3 =	sld [smem:$0x3FFE];
	_ =	sdelay $0x1  }
0x8a: {  	s1 =	srdreg.scid  }
0x8b: {  	s0 =	sand.u32 $0x1, s1  }
0x8c: {  	s17 =	sshll.u32 s0, $0xA;
	s2 =	sadd.s32 s3, s2  }
0x8d: {  	s2 =	sadd.s32 s2, s17  }
0x8e: {  	[smem:$0x3FC4] =	sst s2  }
0x8f: {  	_ = 	snop  }
0x90: {  	s2 =	sld [smem:$0x3FC9]  }
0x91: {  	s18 =	sld [smem:$0x3FD0];
	(tm) =	ssettm $0x1  }
0x92: {  	s4 =	sld [smem:$0x3FFB];
	_ =	sdelay $0x3  }
0x93: {  	_ =	strace s4  }
0x94: {  	s4 =	sld [smem:$0x3FFC];
	_ =	sdelay $0x3  }
0x95: {  	_ =	strace s4  }
0x96: {  	s4 =	sld [smem:$0x3FFD];
	_ =	sdelay $0x3  }
0x97: {  	_ =	strace s4  }
0x98: {  	_ =	strace $0x8FFFFFFF  }
0x99: {  	s19 =	sld [smem:$0x3FDB];
	_ =	sdelay $0x1  }
0x9a: {  	s5 =	simm.s32 $_scs_section_size  }
0x9b: {  	s6 =	simm.s32 $_size__tile_overlayer_lowered;
	s7 =	simm.s32 $_tile_overlayer_lowered  }
0x9c: {  	s22 =	simm.s32 $0x1BFF;
	s21 =	sshll.u32 s7, $0x1;
	s4 =	sadd.s32 s5, s19  }
0x9d: {  	s8 =	simm.s32 $0x0;
	s20 =	sshll.u32 s6, $0x1;
	s6 =	sadd.s32 s21, s4  }
0x9e: {  	[timem:s8], [sflag:s22] =	dma.local [hbm:s6], s20  }
0x9f: {  	_ =	swait.ge [sflag:s22], s20  }
0xa0: {  	s5 =	ssub.s32 $0x0, s20;
	[sflag:s22] =	ssyncset.done $0x0  }
0xa1: {  	[sflag:s22] =	ssyncadd.s32 s5;
	_ =	sdelay $0x1  }
0xa2: {  	s23 =	simm.s32 $0x1B8B  }
0xa3: {  	_ =	swait.ge [sflag:s23], $0x1  }
0xa4: {  	[sflag:s23] =	ssyncset.done $0x0  }
0xa5: {  	s25 =	simm.s32 $0x1B8E;
	s24 =	sld [smem:$0x3FFE];
	[sflag:s23] =	ssyncadd.s32 $0xFFFFFFFF  }
0xa6: {  	s26 =	simm.s32 $execute0_lowered;
	[smem:$0x3FD2] =	sst s25  }
0xa7: {  	s6 =	sshll.u32 s26, $0x1;
	_ =	strace $0x80000046;
	[dreg:$0x1] =	wrdreg $0xFFFFFFFF  }
0xa8: {  	s28 =	simm.s32 $_size_execute0_lowered;
	s4 =	sadd.s32 s4, s6;
	[dreg:$0x0] =	wrdreg $0x0  }
0xa9: {  	s6 =	sshll.u32 s28, $0x1;
	[dreg:$0x2] =	wrdreg s4  }
0xaa: {  	[dreg:$0x3] =	wrdreg s6  }
0xab: {  	[dreg:$0x4] =	wrdreg $0xC0  }
0xac: {  	_ =	task [dreg:s8], $0x5FFFF  }
0xad: {  	[dreg:$0x1] =	wrdreg $0xFFFFFFFF  }
0xae: {  	[dreg:$0x0] =	wrdreg $0x60  }
0xaf: {  	[dreg:$0x2] =	wrdreg s2  }
0xb0: {  	[dreg:$0x3] =	wrdreg s18  }
0xb1: {  	[dreg:$0x4] =	wrdreg s24  }
0xb2: {  	[dreg:$0x5] =	wrdreg $0xB8000  }
0xb3: {  	[dreg:$0x6] =	wrdreg $0x9  }
0xb4: {  	_ =	task.clear_ibuf [dreg:s8], $0x7FFFF;
	_ =	strace $0x90000046  }
0xb5: {  	s29 =	simm.s32 $0x9;
	_ =	strace $0x80000048  }
0xb6: {  	_ =	swait.ge [sflag:s29], $0x1  }
0xb7: {  	[sflag:s29] =	ssyncadd.s32 $0xFFFFFFFF  }
0xb8: {  	_ =	strace $0x90000048  }
0xb9: {  	_ =	sfence  }
0xba: {  	s30 =	sld [smem:$0x0];
	_ =	sdelay $0x2  }
0xbb: {  	s31 =	sshll.u32 s1, $0xD;
	s1 =	sshrl.u32 s1, $0x2  }
0xbc: {  	s3 =	sand.u32 $0x4000, s31;
	s1 =	sadd.s32 s1, s30  }
0xbd: {  	s0 =	sor.u32 s3, s0;
	s1 =	sshll.u32 s1, $0x11  }
0xbe: {  	s0 =	sor.u32 s1, s0  }
0xbf: {  	s0 =	sadd.s32 $0x8F2B, s0  }
0xc0: {  	[sflag:s0] =	ssyncadd.remote.s32 $0x1  }
0xc1: {  	_ =	sfence.sel $0xFFFF  }
0xc2: {  	[dreg:$0x0] =	wrdreg $0xFFFFFFFF;
	(pc) =	sbr.abs _section_cstart, $3  }
0xc3: {  	[dreg:$0x1] =	wrdreg $0xFFFFFFFF  }
0xc4: {  	_ =	task.clear_ibuf [dreg:s8], $0x2FFFF;
	_ =	strace $0x9FFFFFFF  }
0xc5: {  	(tm) =	ssettm $0x7FFFFFFF  }
tec
execute0_lowered:
.L_overlay_start_1:
0x0: {  	(tag) =	ssettag $0x1  }
0x1: {  	s1 =	rddreg [dreg:$0x0]  }
0x2: {  	s9 =	rddreg [dreg:$0x1]  }
0x3: {  	s6 =	rddreg [dreg:$0x2]  }
0x4: {  	s3 =	rddreg [dreg:$0x3]  }
0x5: {  	s0 =	rddreg [dreg:$0x4];
	s2 =	stileid.u32  }
0x6: {  	s4 =	simm.s32 $0x0;
	s7 =	srdreg.scid;
	s5 =	smul.u32 $0x1800, s2  }
0x7: {  	s19 =	simm.s32 $0x80;
	s20 =	simm.s32 $0x7800;
	s8 =	smul.u32 $0x2700, s2  }
0x8: {  	s21 =	simm.s32 $0x1;
	s22 =	simm.s32 $0x0;
	s26 =	smul.u32 $0x4E000, s2  }
0x9: {  	[smem:$0x7FF] =	sst s4;
	s17 =	sand.u32 $0x1, s7;
	s29 =	smul.u32 $0x3C00, s2  }
0xa: {  	s11 =	sadd.s32 $0x2F000, s6;
	s15 =	sadd.s32 $0x124800, s3;
	s18 =	smul.u32 $0x13800, s2  }
0xb: {  	p0 =	seq.s32 s2, $0xF;
	_ =	strace $0x80000047;
	s25 =	ssub.s32 $0x2, s17  }
0xc: {  	s14 =	smul.u32 $0x138C00, s17;
	p1 =	sne.s32 s17, $0x0;
	s17 =	simm.s32 $0x2  }
0xd: {  	s5 =	sshrl.u32 s5, $0x3;
	s8 =	sadd.s32 s8, s6;
	s12 =	sshrl.u32 s25, $0x1  }
0xe: {  	s28 =	sshrl.u32 s26, $0x2;
	s30 =	sshrl.u32 s29, $0x3;
	s10 =	sadd.s32 s5, s6  }
0xf: {  	s13 =	ssub.s32 s25, s12;
	s16 =	sadd.s32 s28, s3;
	s5 =	sadd.s32 $0x7E00, s8  }
0x10: {  	s6 =	sadd.s32 $0x2C700, s6;
	s9 =	sadd.s32 s9, s30;
	s31 =	sadd.s32 s18, s14  }
.Ltmp0:
0x11: {  	s14 =	sshrl.u32 s14, $0x3;
	s18 =	simm.s32 $0x3C00;
	(pc) =	sbr.rel .LBB2_1-.Ltmp0, $4  }
0x12: {  	s7 =	sadd.s32 $0x1E00, s10;
	s8 =	sadd.s32 $0x4E00, s10;
	s12 =	sshrl.u32 s31, $0x3  }
0x13: {  	s10 =	sadd.s32 $0x7800, s9;
	s14 =	sadd.s32 s11, s14;
	s11 =	sadd.s32 s11, s12  }
0x14: {  	s12 =	sadd.s32 $0x24900, s14;
	s14 =	sshrl.u32 @p0 s15, $0x3;
	s15 =	sshll.u32 @!p0 s2, $0x6  }
0x15: {  	s13 =	smax.u32 s13, $0x1;
	s16 =	sshrl.u32 @!p0 s16, $0x3;
	s15 =	sor.u32 @!p0 $0x1C02, s15  }
.LBB2_7:
0x16: {  	s23 =	sshra.s32 s23, $0x2;
	[sflag:s17] =	ssyncadd.s32 $0xFFFFC000  }
0x17: {  	[tilespmem:s20], [sflag:$0x1] =	stream.indirect.gather [hbm4b:s1+s19], $0x80, s23, s19, $0xb8;
	[tilespmem:$0x1F0C0] =	vst v63  }
0x18: {  	_ =	swait.ge [sflag:s21], $0x4000  }
0x19: {  	[sflag:s21] =	ssyncset.done $0x0  }
0x1a: {  	s23 =	sadd.s32 $0x3C00, s23;
	[sflag:s21] =	ssyncadd.s32 $0xFFFFC000  }
0x1b: {  	[spmem:s3] =	stream.indirect.scatter.add.f32 [tilespmem:s20], [sflag:$0x2], $0x80, s23, s19, $0xb8;
	[tilespmem:$0x1F0C0] =	vst v63  }
0x1c: {  	_ =	swait.ge [sflag:s17], $0x4000  }
0x1d: {  	[sflag:s17] =	ssyncset.done $0x0  }
0x1e: {  	[sflag:s17] =	ssyncadd.s32 $0xFFFFC000  }
.LBB2_8:
0x1f: {  	[bflag:$0x0] =	sbarrier.arrive $0xFFFF;
	s23 =	simm.s32 @p0 $0x1FC2  }
0x20: {  	[hbm:s12], [sflag:s23] =	dma.local @p0 [spmem:s14], $0x2880  }
0x21: {  	s23 =	simm.s32 @p0 $0x2  }
0x22: {  	s22 =	sadd.s32 $0x1, s22;
	_ =	swait.ge @p0 [sflag:s23], $0x2880  }
0x23: {  	p2 =	sne.s32 s22, s13;
	[sflag:s23] =	ssyncset.done @p0 $0x0  }
.Ltmp1:
0x24: {  	[sflag:s23] =	ssyncadd.s32 @p0 $0xFFFFD780;
	s23 =	simm.s32 @!p0 $0x2;
	(pc) =	sbr.rel @!p2 .LBB2_9-.Ltmp1, $4  }
0x25: {  	[hbm:s11], [sflag:s15] =	dma.local @!p0 [spmem:s16], $0x2700  }
0x26: {  	_ =	swait.ge @!p0 [sflag:s23], $0x2700  }
0x27: {  	[sflag:s23] =	ssyncset.done @!p0 $0x0  }
0x28: {  	[sflag:s23] =	ssyncadd.s32 @!p0 $0xFFFFD900  }
.LBB2_1:
0x29: {  	s23 =	simm.s32 @p0 $0x1FC2  }
0x2a: {  	[spmem:s14], [sflag:s23] =	dma.local @p0 [hbm:s6], $0x2880  }
0x2b: {  	s23 =	simm.s32 @p0 $0x2  }
0x2c: {  	_ =	swait.ge @p0 [sflag:s23], $0x2880  }
0x2d: {  	[sflag:s23] =	ssyncset.done @p0 $0x0  }
.Ltmp2:
0x2e: {  	[sflag:s23] =	ssyncadd.s32 @p0 $0xFFFFD780;
	s23 =	simm.s32 @!p0 $0x2;
	(pc) =	sbr.rel @p1 .LBB2_5-.Ltmp2, $4  }
0x2f: {  	[spmem:s16], [sflag:s15] =	dma.local @!p0 [hbm:s5], $0x2700  }
0x30: {  	_ =	swait.ge @!p0 [sflag:s23], $0x2700  }
0x31: {  	[sflag:s23] =	ssyncset.done @!p0 $0x0  }
0x32: {  	[sflag:s23] =	ssyncadd.s32 @!p0 $0xFFFFD900  }
0x33: {  	[tilespmem:s4], [sflag:$0x2] =	stream.linear.gather [hbm4b:s9+s4], $0x3A80, $0x38;
	[tilespmem:$0x1F0C0] =	vst v63  }
0x34: {  	_ =	swait.ge [sflag:s17], $0x3A80  }
0x35: {  	[sflag:s17] =	ssyncset.done $0x0  }
0x36: {  	[sflag:s17] =	ssyncadd.s32 $0xFFFFC580  }
0x37: {  	[tilespmem:s18], [sflag:$0x2] =	stream.linear.gather [hbm4b:s10+s4], $0x3A80, $0x38;
	[tilespmem:$0x1F0C0] =	vst v63  }
0x38: {  	_ =	swait.ge [sflag:s17], $0x3A80  }
0x39: {  	[sflag:s17] =	ssyncset.done $0x0  }
0x3a: {  	[sflag:s17] =	ssyncadd.s32 $0xFFFFC580  }
0x3b: {  	s23 =	simm.s32 $0x0;
	[bflag:$0x0] =	sbarrier.arrive $0xFFFF  }
0x3c: {  	[tilespmem:s20], [sflag:$0x1] =	stream.indirect.gather [hbm4b:s1+s19], $0x80, s23, s19, $0xb8;
	[tilespmem:$0x1F0C0] =	vst v63  }
0x3d: {  	_ =	swait.ge [sflag:s21], $0x4000  }
0x3e: {  	[sflag:s21] =	ssyncset.done $0x0  }
0x3f: {  	s26 =	simm.s32 $0x3C00;
	[sflag:s21] =	ssyncadd.s32 $0xFFFFC000  }
0x40: {  	[spmem:s3] =	stream.indirect.scatter.add.f32 [tilespmem:s20], [sflag:$0x2], $0x80, s26, s19, $0xb8;
	[tilespmem:$0x1F0C0] =	vst v63  }
0x41: {  	_ =	swait.ge [sflag:s17], $0x4000  }
0x42: {  	[sflag:s17] =	ssyncset.done $0x0  }
0x43: {  	s28 =	simm.s32 $0x80;
	[sflag:s17] =	ssyncadd.s32 $0xFFFFC000  }
0x44: {  	[tilespmem:s20], [sflag:$0x1] =	stream.indirect.gather [hbm4b:s1+s19], $0x80, s28, s19, $0xb8;
	[tilespmem:$0x1F0C0] =	vst v63  }
0x45: {  	_ =	swait.ge [sflag:s21], $0x4000  }
0x46: {  	[sflag:s21] =	ssyncset.done $0x0  }
0x47: {  	s29 =	simm.s32 $0x3C80;
	[sflag:s21] =	ssyncadd.s32 $0xFFFFC000  }
0x48: {  	[spmem:s3] =	stream.indirect.scatter.add.f32 [tilespmem:s20], [sflag:$0x2], $0x80, s29, s19, $0xb8;
	[tilespmem:$0x1F0C0] =	vst v63  }
0x49: {  	_ =	swait.ge [sflag:s17], $0x4000  }
0x4a: {  	[sflag:s17] =	ssyncset.done $0x0  }
0x4b: {  	s30 =	simm.s32 $0x100;
	[sflag:s17] =	ssyncadd.s32 $0xFFFFC000  }
0x4c: {  	[tilespmem:s20], [sflag:$0x1] =	stream.indirect.gather [hbm4b:s1+s19], $0x80, s30, s19, $0xb8;
	[tilespmem:$0x1F0C0] =	vst v63  }
0x4d: {  	_ =	swait.ge [sflag:s21], $0x4000  }
0x4e: {  	[sflag:s21] =	ssyncset.done $0x0  }
0x4f: {  	s31 =	simm.s32 $0x3D00;
	[sflag:s21] =	ssyncadd.s32 $0xFFFFC000  }
0x50: {  	[spmem:s3] =	stream.indirect.scatter.add.f32 [tilespmem:s20], [sflag:$0x2], $0x80, s31, s19, $0xb8;
	[tilespmem:$0x1F0C0] =	vst v63  }
0x51: {  	s25 =	simm.s32 $0x3;
	_ =	swait.ge [sflag:s17], $0x4000  }
0x52: {  	s24 =	simm.s32 $0x280;
	s23 =	simm.s32 $0x3E80;
	[sflag:s17] =	ssyncset.done $0x0  }
.LBB2_3:
0x53: {  	s25 =	sadd.s32 $0x3, s25;
	s26 =	sadd.s32 $0xFFFFFF00, s24;
	[sflag:s17] =	ssyncadd.s32 $0xFFFFC000  }
0x54: {  	[tilespmem:s20], [sflag:$0x1] =	stream.indirect.gather [hbm4b:s1+s19], $0x80, s26, s19, $0xb8;
	[tilespmem:$0x1F0C0] =	vst v63  }
0x55: {  	p2 =	slt.u32 s25, $0x72;
	_ =	swait.ge [sflag:s21], $0x4000  }
0x56: {  	[sflag:s21] =	ssyncset.done $0x0  }
0x57: {  	s26 =	sadd.s32 $0xFFFFFF00, s23;
	[sflag:s21] =	ssyncadd.s32 $0xFFFFC000  }
0x58: {  	[spmem:s3] =	stream.indirect.scatter.add.f32 [tilespmem:s20], [sflag:$0x2], $0x80, s26, s19, $0xb8;
	[tilespmem:$0x1F0C0] =	vst v63  }
0x59: {  	_ =	swait.ge [sflag:s17], $0x4000  }
0x5a: {  	[sflag:s17] =	ssyncset.done $0x0  }
0x5b: {  	s26 =	sadd.s32 $0xFFFFFF80, s24;
	[sflag:s17] =	ssyncadd.s32 $0xFFFFC000  }
0x5c: {  	[tilespmem:s20], [sflag:$0x1] =	stream.indirect.gather [hbm4b:s1+s19], $0x80, s26, s19, $0xb8;
	[tilespmem:$0x1F0C0] =	vst v63  }
0x5d: {  	_ =	swait.ge [sflag:s21], $0x4000  }
0x5e: {  	[sflag:s21] =	ssyncset.done $0x0  }
0x5f: {  	s26 =	sadd.s32 $0xFFFFFF80, s23;
	[sflag:s21] =	ssyncadd.s32 $0xFFFFC000  }
0x60: {  	[spmem:s3] =	stream.indirect.scatter.add.f32 [tilespmem:s20], [sflag:$0x2], $0x80, s26, s19, $0xb8;
	[tilespmem:$0x1F0C0] =	vst v63  }
0x61: {  	_ =	swait.ge [sflag:s17], $0x4000  }
0x62: {  	[sflag:s17] =	ssyncset.done $0x0  }
0x63: {  	[sflag:s17] =	ssyncadd.s32 $0xFFFFC000  }
0x64: {  	[tilespmem:s20], [sflag:$0x1] =	stream.indirect.gather [hbm4b:s1+s19], $0x80, s24, s19, $0xb8;
	[tilespmem:$0x1F0C0] =	vst v63  }
0x65: {  	_ =	swait.ge [sflag:s21], $0x4000  }
.Ltmp3:
0x66: {  	[sflag:s21] =	ssyncset.done $0x0;
	(pc) =	sbr.rel @p2 .LBB2_3-.Ltmp3, $4  }
0x67: {  	[sflag:s21] =	ssyncadd.s32 $0xFFFFC000  }
0x68: {  	[spmem:s3] =	stream.indirect.scatter.add.f32 [tilespmem:s20], [sflag:$0x2], $0x80, s23, s19, $0xb8;
	[tilespmem:$0x1F0C0] =	vst v63  }
0x69: {  	_ =	swait.ge [sflag:s17], $0x4000  }
0x6a: {  	s24 =	sadd.s32 $0x180, s24;
	s23 =	sadd.s32 $0x180, s23;
	[sflag:s17] =	ssyncset.done $0x0  }
0x6b: {  	s25 =	sadd.s32 $0xFFFFFF00, s24;
	[sflag:s17] =	ssyncadd.s32 $0xFFFFC000  }
0x6c: {  	[tilespmem:s20], [sflag:$0x1] =	stream.indirect.gather [hbm4b:s1+s19], $0x80, s25, s19, $0xb8;
	[tilespmem:$0x1F0C0] =	vst v63  }
0x6d: {  	_ =	swait.ge [sflag:s21], $0x4000  }
0x6e: {  	[sflag:s21] =	ssyncset.done $0x0  }
0x6f: {  	s29 =	sadd.s32 $0xFFFFFF00, s23;
	[sflag:s21] =	ssyncadd.s32 $0xFFFFC000  }
0x70: {  	[spmem:s3] =	stream.indirect.scatter.add.f32 [tilespmem:s20], [sflag:$0x2], $0x80, s29, s19, $0xb8;
	[tilespmem:$0x1F0C0] =	vst v63  }
0x71: {  	_ =	swait.ge [sflag:s17], $0x4000  }
0x72: {  	[sflag:s17] =	ssyncset.done $0x0  }
0x73: {  	s30 =	sadd.s32 $0xFFFFFF80, s24;
	[sflag:s17] =	ssyncadd.s32 $0xFFFFC000  }
0x74: {  	[tilespmem:s20], [sflag:$0x1] =	stream.indirect.gather [hbm4b:s1+s19], $0x80, s30, s19, $0xb8;
	[tilespmem:$0x1F0C0] =	vst v63  }
0x75: {  	_ =	swait.ge [sflag:s21], $0x4000  }
0x76: {  	[sflag:s21] =	ssyncset.done $0x0  }
0x77: {  	s31 =	sadd.s32 $0xFFFFFF80, s23;
	[sflag:s21] =	ssyncadd.s32 $0xFFFFC000  }
0x78: {  	[spmem:s3] =	stream.indirect.scatter.add.f32 [tilespmem:s20], [sflag:$0x2], $0x80, s31, s19, $0xb8;
	[tilespmem:$0x1F0C0] =	vst v63  }
0x79: {  	_ =	swait.ge [sflag:s17], $0x4000  }
0x7a: {  	[sflag:s17] =	ssyncset.done $0x0  }
0x7b: {  	[sflag:s17] =	ssyncadd.s32 $0xFFFFC000  }
0x7c: {  	[tilespmem:s20], [sflag:$0x1] =	stream.indirect.gather [hbm4b:s1+s19], $0x80, s24, s19, $0xb8;
	[tilespmem:$0x1F0C0] =	vst v63  }
0x7d: {  	_ =	swait.ge [sflag:s21], $0x4000  }
0x7e: {  	[sflag:s21] =	ssyncset.done $0x0  }
.Ltmp4:
0x7f: {  	[sflag:s21] =	ssyncadd.s32 $0xFFFFC000;
	(pc) =	sbr.rel .LBB2_8-.Ltmp4, $4  }
0x80: {  	[spmem:s3] =	stream.indirect.scatter.add.f32 [tilespmem:s20], [sflag:$0x2], $0x80, s23, s19, $0xb8;
	[tilespmem:$0x1F0C0] =	vst v63  }
0x81: {  	_ =	swait.ge [sflag:s17], $0x4000  }
0x82: {  	[sflag:s17] =	ssyncset.done $0x0  }
0x83: {  	[sflag:s17] =	ssyncadd.s32 $0xFFFFC000  }
.LBB2_5:
0x84: {  	s23 =	simm.s32 $0x0  }
0x85: {  	[tilespmem:s23], [sflag:$0x2] =	stream.linear.gather [hbm4b:s7+s23], $0x1480, $0x38;
	[tilespmem:$0x1F0C0] =	vst v63  }
0x86: {  	_ =	swait.ge [sflag:s17], $0x1480  }
0x87: {  	[sflag:s17] =	ssyncset.done $0x0  }
0x88: {  	[sflag:s17] =	ssyncadd.s32 $0xFFFFEB80  }
0x89: {  	[tilespmem:s18], [sflag:$0x2] =	stream.linear.gather [hbm4b:s8+s23], $0x1480, $0x38;
	[tilespmem:$0x1F0C0] =	vst v63  }
0x8a: {  	_ =	swait.ge [sflag:s17], $0x1480  }
0x8b: {  	[sflag:s17] =	ssyncset.done $0x0  }
0x8c: {  	[sflag:s17] =	ssyncadd.s32 $0xFFFFEB80  }
0x8d: {  	s30 =	simm.s32 $0x0;
	[bflag:$0x0] =	sbarrier.arrive $0xFFFF  }
0x8e: {  	[tilespmem:s20], [sflag:$0x1] =	stream.indirect.gather [hbm4b:s1+s19], $0x80, s30, s19, $0xb8;
	[tilespmem:$0x1F0C0] =	vst v63  }
0x8f: {  	_ =	swait.ge [sflag:s21], $0x4000  }
0x90: {  	[sflag:s21] =	ssyncset.done $0x0  }
0x91: {  	s31 =	simm.s32 $0x3C00;
	[sflag:s21] =	ssyncadd.s32 $0xFFFFC000  }
0x92: {  	[spmem:s3] =	stream.indirect.scatter.add.f32 [tilespmem:s20], [sflag:$0x2], $0x80, s31, s19, $0xb8;
	[tilespmem:$0x1F0C0] =	vst v63  }
0x93: {  	_ =	swait.ge [sflag:s17], $0x4000  }
0x94: {  	s24 =	simm.s32 $0x400;
	s23 =	simm.s32 $0x200;
	[sflag:s17] =	ssyncset.done $0x0  }
.LBB2_6:
0x95: {  	s25 =	sshra.s32 s23, $0x2  }
0x96: {  	[sflag:s17] =	ssyncadd.s32 $0xFFFFC000;
	s23 =	smov.u32 s24;
	s26 =	sadd.s32 $0x200, s24  }
0x97: {  	[tilespmem:s20], [sflag:$0x1] =	stream.indirect.gather [hbm4b:s1+s19], $0x80, s25, s19, $0xb8;
	[tilespmem:$0x1F0C0] =	vst v63  }
0x98: {  	p2 =	sne.s32 s24, $0x5000;
	_ =	swait.ge [sflag:s21], $0x4000  }
.Ltmp5:
0x99: {  	[sflag:s21] =	ssyncset.done $0x0;
	(pc) =	sbr.rel @p2 .LBB2_6-.Ltmp5, $4  }
0x9a: {  	s24 =	sadd.s32 $0x3C00, s25;
	[sflag:s21] =	ssyncadd.s32 $0xFFFFC000  }
0x9b: {  	[spmem:s3] =	stream.indirect.scatter.add.f32 [tilespmem:s20], [sflag:$0x2], $0x80, s24, s19, $0xb8;
	[tilespmem:$0x1F0C0] =	vst v63  }
0x9c: {  	_ =	swait.ge [sflag:s17], $0x4000  }
0x9d: {  	s24 =	smov.u32 s26;
	[sflag:s17] =	ssyncset.done $0x0  }
.Ltmp6:
0x9e: {  	_ = 	snop;
	(pc) =	sbr.rel .LBB2_7-.Ltmp6, $1  }
0x9f: {  	_ =	sdelay $0x3  }
.LBB2_9:
0xa0: {  	_ =	sfence.sel $0x180000  }
0xa1: {  	[bflag:$0x0] =	sbarrier.arrive $0xFFFF  }
0xa2: {  	p0 =	sne.s32 s2, $0x0;
	_ =	strace $0x90000047  }
0xa3: {  	s0 =	sadd.s32 @!p0 $0x100000, s0;
	[bflag:$0x2] =	sbarrier.arrive $0xFFFF  }
0xa4: {  	[sflag:s0] =	ssyncadd.tile.s32 @!p0 $0x1;
	_ =	shalt  }
.Lfunc_end2:
_tile_overlayer_lowered:
.L_overlay_start_2:
0xa5: {  	(tag) =	ssettag $0x2  }
0xa6: {  	s0 =	rddreg [dreg:$0x0];
	s2 =	stileid.u32  }
0xa7: {  	s1 =	rddreg [dreg:$0x1];
	p0 =	sne.s32 s2, $0x0  }
0xa8: {  	s3 =	rddreg [dreg:$0x2];
	[bflag:$0x3] =	sbarrier.arrive $0xFFFF;
	s2 =	simm.s32 @!p0 $0x1C02  }
0xa9: {  	[timem:s3], [sflag:s2] =	dma.local @!p0 [hbm:s0], s1  }
0xaa: {  	s0 =	simm.s32 @!p0 $0x2  }
0xab: {  	_ =	swait.ge @!p0 [sflag:s0], s1  }
0xac: {  	s1 =	ssub.s32 @!p0 $0x0, s1;
	[sflag:s0] =	ssyncset.done @!p0 $0x0  }
0xad: {  	[sflag:s0] =	ssyncadd.s32 @!p0 s1  }
0xae: {  	[bflag:$0x3] =	sbarrier.arrive $0xFFFF  }
0xaf: {  	_ =	shalt  }

</sc_bundles>
